<compile_context>
chip_gen: v7x
topology: tpu7x:2x2x1
jax: 0.10.2.dev20260603
libtpu: 0.0.44.dev20260713+nightly
codegen_flags: <defaults>
</compile_context>

<pallas_src>
import functools

import jax
import jax.numpy as jnp
from jax import lax
from jax.experimental import pallas as pl
from jax.experimental.pallas import tpu as pltpu
from jax.experimental.pallas import tpu_sc as plsc

NC = 2
NS = 16
NW = NC * NS

D = 64
CHUNK = 512
SUB = 128
NSUB = CHUNK // SUB
NBUF = 2


@functools.partial(jax.jit, static_argnums=(2,))
def _emb_lookup(idx_flat, table, bpw):
    nch = bpw // CHUNK
    assert nch % NBUF == 0
    mesh = plsc.VectorSubcoreMesh(core_axis_name="c", subcore_axis_name="s")

    @functools.partial(
        pl.kernel,
        mesh=mesh,
        out_type=jax.ShapeDtypeStruct((idx_flat.shape[0], D), jnp.float32),
        scratch_types=[
            pltpu.VMEM((NBUF, CHUNK), jnp.int32),
            pltpu.VMEM((NBUF, CHUNK, D), jnp.float32),
        ]
        + [pltpu.SemaphoreType.DMA] * (3 * NBUF),
        compiler_params=pltpu.CompilerParams(use_tc_tiling_on_sc=False),
    )
    def body(idx_hbm, w_hbm, out_hbm, idx_v, rows_v, *sems):
        gsem = sems[0:NBUF]
        osem = sems[NBUF : 2 * NBUF]
        isem = sems[2 * NBUF : 3 * NBUF]
        wid = lax.axis_index("s") * NC + lax.axis_index("c")
        base = wid * bpw

        pltpu.async_copy(idx_hbm.at[pl.ds(base, CHUNK)], idx_v.at[0], isem[0])

        def step(g, carry):
            for b in range(NBUF):
                c = g * NBUF + b
                off = base + c * CHUNK
                pltpu.make_async_copy(
                    idx_hbm.at[pl.ds(off, CHUNK)], idx_v.at[b], isem[b]
                ).wait()
                @pl.when(c >= NBUF)
                def _():
                    pltpu.make_async_copy(
                        rows_v.at[b], out_hbm.at[pl.ds(off, CHUNK)], osem[b]
                    ).wait()
                copies = [
                    pltpu.async_copy(
                        w_hbm.at[idx_v.at[b].at[pl.ds(j * SUB, SUB)]],
                        rows_v.at[b].at[pl.ds(j * SUB, SUB)],
                        gsem[b],
                    )
                    for j in range(NSUB)
                ]
                nb = (b + 1) % NBUF

                @pl.when(c + 1 < nch)
                def _():
                    pltpu.async_copy(
                        idx_hbm.at[pl.ds(off + CHUNK, CHUNK)], idx_v.at[nb], isem[nb]
                    )

                for cp in copies:
                    cp.wait()
                pltpu.async_copy(rows_v.at[b], out_hbm.at[pl.ds(off, CHUNK)], osem[b])
            return carry

        lax.fori_loop(0, nch // NBUF, step, 0)
        for b in range(NBUF):
            pltpu.make_async_copy(
                rows_v.at[b], out_hbm.at[pl.ds(base, CHUNK)], osem[b]
            ).wait()

    return body(idx_flat, table)


def kernel(input, W):
    idx = input.reshape(-1).astype(jnp.int32)
    bpw = idx.shape[0] // NW
    out = _emb_lookup(idx, W, bpw)
    return out.reshape(input.shape + (W.shape[1],))

# --- scband reference (transcript-rebuilt; emitter-appended) ---
"""Pipeline reference for scband-embedding-matrix-9053791060515 (READ-ONLY COPY).

The authoritative reference and input builder live on the scoring server;
editing this copy changes nothing except your own understanding.
"""

import jax, jax.numpy as jnp
import numpy as np

MAX_NODES = 1000000
EMBED_SIZE = 64

def setup_inputs(seed: int = 0) -> dict:
    key = jax.random.key(seed)
    k1, k2 = jax.random.split(key)
    indices = jax.random.randint(k1, (16384, 26), 0, MAX_NODES, dtype=jnp.int64 if jax.config.jax_enable_x64 else jnp.int32)
    # emulate the uniform init of nn.Embedding weight (low/high scaled by embed_size)
    low = -1.0 / EMBED_SIZE
    high = 1.0 / EMBED_SIZE
    W = jax.random.uniform(k2, (MAX_NODES, EMBED_SIZE), dtype=jnp.float32, minval=low, maxval=high)
    return {"input": indices, "W": W}

def reference(input, W):
    # nn.Embedding forward: row gather from the embedding matrix
    return jnp.take(W, input, axis=0)

if __name__ == "__main__":
    import jax
    _d = setup_inputs()
    print(jax.jit(kernel)(*tuple(_d.values())))

</pallas_src>

<mosaic_0001>
#map = affine_map<(d0, d1) -> (0)>
#map1 = affine_map<(d0, d1) -> (0, 0)>
module attributes {stable_mosaic.version = 14 : i64} {
  func.func @body(%arg0: i32, %arg1: i32, %arg2: memref<425984xi32, #tpu.memory_space<hbm>>, %arg3: memref<1000000x64xf32, #tpu.memory_space<hbm>>, %arg4: memref<425984x64xf32, #tpu.memory_space<hbm>>, %arg5: memref<2x512xi32, #tpu.memory_space<vmem>>, %arg6: memref<2x512x64xf32, #tpu.memory_space<vmem>>, %arg7: memref<!tpu.dma_semaphore, #tpu.memory_space<semaphore_mem>>, %arg8: memref<!tpu.dma_semaphore, #tpu.memory_space<semaphore_mem>>, %arg9: memref<!tpu.dma_semaphore, #tpu.memory_space<semaphore_mem>>, %arg10: memref<!tpu.dma_semaphore, #tpu.memory_space<semaphore_mem>>, %arg11: memref<!tpu.dma_semaphore, #tpu.memory_space<semaphore_mem>>, %arg12: memref<!tpu.dma_semaphore, #tpu.memory_space<semaphore_mem>>) attributes {dimension_semantics = [#tpu.dimension_semantics<core_parallel>, #tpu.dimension_semantics<subcore_parallel>], iteration_bounds = array<i64: 2, 16>, scalar_prefetch = 0 : i64, scratch_operands = 8 : i64, tpu.core_type = #tpu.core_type<sc_vector_subcore>, window_params = [{transform_indices = #map}, {transform_indices = #map1}, {transform_indices = #map1}]} {
    %mul3A = arith.constant 2 : i32
    %mul3A_0 = arith.muli %arg1, %mul3A : i32
    %add3A = arith.addi %mul3A_0, %arg0 : i32
    %mul3A_1 = arith.constant 13312 : i32
    %mul3A_2 = arith.muli %add3A, %mul3A_1 : i32
    %dma_start3A = arith.constant 0 : i32
    %dma_start3A_3 = arith.constant 0 : i32
    %dma_start3A_4 = tpu.memref_slice %arg5[%dma_start3A, %dma_start3A_3] : memref<2x512xi32, #tpu.memory_space<vmem>> -> memref<1x512xi32, #tpu.memory_space<vmem>>
    %dma_start3A_5 = tpu.memref_squeeze %dma_start3A_4 : memref<1x512xi32, #tpu.memory_space<vmem>> -> memref<512xi32, #tpu.memory_space<vmem>>
    %dma_start3A_6 = tpu.memref_slice %arg2[%mul3A_2] : memref<425984xi32, #tpu.memory_space<hbm>> -> memref<512xi32, #tpu.memory_space<hbm>>
    %dma_start3A_7 = arith.constant 0 : i32
    %dma_start3A_8 = tpu.memref_slice %arg5[%dma_start3A, %dma_start3A_7] : memref<2x512xi32, #tpu.memory_space<vmem>> -> memref<1x512xi32, #tpu.memory_space<vmem>>
    %dma_start3A_9 = tpu.memref_squeeze %dma_start3A_8 : memref<1x512xi32, #tpu.memory_space<vmem>> -> memref<512xi32, #tpu.memory_space<vmem>>
    %dma_start3A_10 = tpu.memref_slice %arg2[%mul3A_2] : memref<425984xi32, #tpu.memory_space<hbm>> -> memref<512xi32, #tpu.memory_space<hbm>>
    tpu.enqueue_dma source(%dma_start3A_10 : memref<512xi32, #tpu.memory_space<hbm>>) target(%dma_start3A_9 : memref<512xi32, #tpu.memory_space<vmem>>) target_semaphore(%arg11 : memref<!tpu.dma_semaphore, #tpu.memory_space<semaphore_mem>>)
    %scan3A = arith.constant 0 : i32
    %scan3A_11 = arith.constant 0 : i32
    %scan3A_12 = arith.constant 13 : i32
    %scan3A_13 = arith.addi %scan3A_11, %scan3A_12 : i32
    %scan3A_14 = arith.constant 1 : i32
    scf.for %scan3A_41 = %scan3A_11 to %scan3A_13 step %scan3A_14  : i32 {
      %mul3A_42 = arith.constant 2 : i32
      %mul3A_43 = arith.muli %scan3A_41, %mul3A_42 : i32
      %add3A_44 = arith.constant 0 : i32
      %add3A_45 = arith.addi %mul3A_43, %add3A_44 : i32
      %mul3A_46 = arith.constant 512 : i32
      %mul3A_47 = arith.muli %add3A_45, %mul3A_46 : i32
      %add3A_48 = arith.addi %mul3A_2, %mul3A_47 : i32
      %dma_wait3A_49 = arith.constant 0 : i32
      %dma_wait3A_50 = arith.constant 0 : i32
      %dma_wait3A_51 = tpu.memref_slice %arg5[%dma_wait3A_49, %dma_wait3A_50] : memref<2x512xi32, #tpu.memory_space<vmem>> -> memref<1x512xi32, #tpu.memory_space<vmem>>
      %dma_wait3A_52 = tpu.memref_squeeze %dma_wait3A_51 : memref<1x512xi32, #tpu.memory_space<vmem>> -> memref<512xi32, #tpu.memory_space<vmem>>
      %dma_wait3A_53 = tpu.memref_slice %arg2[%add3A_48] : memref<425984xi32, #tpu.memory_space<hbm>> -> memref<512xi32, #tpu.memory_space<hbm>>
      %dma_wait3A_54 = arith.constant 0 : i32
      %dma_wait3A_55 = tpu.memref_slice %arg5[%dma_wait3A_49, %dma_wait3A_54] : memref<2x512xi32, #tpu.memory_space<vmem>> -> memref<1x512xi32, #tpu.memory_space<vmem>>
      %dma_wait3A_56 = tpu.memref_squeeze %dma_wait3A_55 : memref<1x512xi32, #tpu.memory_space<vmem>> -> memref<512xi32, #tpu.memory_space<vmem>>
      %dma_wait3A_57 = tpu.memref_slice %arg2[%add3A_48] : memref<425984xi32, #tpu.memory_space<hbm>> -> memref<512xi32, #tpu.memory_space<hbm>>
      tpu.wait_dma2 semaphore(%arg11 : memref<!tpu.dma_semaphore, #tpu.memory_space<semaphore_mem>>) src(%dma_wait3A_57 : memref<512xi32, #tpu.memory_space<hbm>>) dst(%dma_wait3A_56 : memref<512xi32, #tpu.memory_space<vmem>>)
      %ge3A = arith.constant 2 : i32
      %ge3A_58 = arith.cmpi sge, %add3A_45, %ge3A : i32
      %convert_element_type3A = arith.extui %ge3A_58 : i1 to i32
      %cond3A = arith.constant 0 : i32
      %cond3A_59 = arith.cmpi ne, %convert_element_type3A, %cond3A : i32
      scf.if %cond3A_59 {
        %dma_wait3A_392 = arith.constant 0 : i32
        %dma_wait3A_393 = arith.constant 0 : i32
        %dma_wait3A_394 = arith.constant 0 : i32
        %dma_wait3A_395 = tpu.memref_slice %arg6[%dma_wait3A_392, %dma_wait3A_393, %dma_wait3A_394] : memref<2x512x64xf32, #tpu.memory_space<vmem>> -> memref<1x512x64xf32, #tpu.memory_space<vmem>>
        %dma_wait3A_396 = tpu.memref_squeeze %dma_wait3A_395 : memref<1x512x64xf32, #tpu.memory_space<vmem>> -> memref<512x64xf32, #tpu.memory_space<vmem>>
        %dma_wait3A_397 = arith.constant 0 : i32
        %dma_wait3A_398 = tpu.memref_slice %arg4[%add3A_48, %dma_wait3A_397] : memref<425984x64xf32, #tpu.memory_space<hbm>> -> memref<512x64xf32, #tpu.memory_space<hbm>>
        %dma_wait3A_399 = arith.constant 0 : i32
        %dma_wait3A_400 = tpu.memref_slice %arg4[%add3A_48, %dma_wait3A_399] : memref<425984x64xf32, #tpu.memory_space<hbm>> -> memref<512x64xf32, #tpu.memory_space<hbm>>
        %dma_wait3A_401 = arith.constant 0 : i32
        %dma_wait3A_402 = arith.constant 0 : i32
        %dma_wait3A_403 = tpu.memref_slice %arg6[%dma_wait3A_392, %dma_wait3A_401, %dma_wait3A_402] : memref<2x512x64xf32, #tpu.memory_space<vmem>> -> memref<1x512x64xf32, #tpu.memory_space<vmem>>
        %dma_wait3A_404 = tpu.memref_squeeze %dma_wait3A_403 : memref<1x512x64xf32, #tpu.memory_space<vmem>> -> memref<512x64xf32, #tpu.memory_space<vmem>>
        tpu.wait_dma2 semaphore(%arg9 : memref<!tpu.dma_semaphore, #tpu.memory_space<semaphore_mem>>) src(%dma_wait3A_404 : memref<512x64xf32, #tpu.memory_space<vmem>>) dst(%dma_wait3A_400 : memref<512x64xf32, #tpu.memory_space<hbm>>)
      } else {
      }
      %dma_start3A_60 = arith.constant 0 : i32
      %dma_start3A_61 = arith.constant 0 : i32
      %dma_start3A_62 = arith.constant 0 : i32
      %dma_start3A_63 = arith.constant 0 : i32
      %dma_start3A_64 = tpu.memref_slice %arg6[%dma_start3A_61, %dma_start3A_62, %dma_start3A_63] : memref<2x512x64xf32, #tpu.memory_space<vmem>> -> memref<1x512x64xf32, #tpu.memory_space<vmem>>
      %dma_start3A_65 = tpu.memref_squeeze %dma_start3A_64 : memref<1x512x64xf32, #tpu.memory_space<vmem>> -> memref<512x64xf32, #tpu.memory_space<vmem>>
      %dma_start3A_66 = arith.constant 0 : i32
      %dma_start3A_67 = arith.constant 0 : i32
      %dma_start3A_68 = tpu.memref_slice %dma_start3A_65[%dma_start3A_66, %dma_start3A_67] : memref<512x64xf32, #tpu.memory_space<vmem>> -> memref<128x64xf32, #tpu.memory_space<vmem>>
      %dma_start3A_69 = arith.constant 0 : i32
      %dma_start3A_70 = tpu.memref_slice %arg5[%dma_start3A_60, %dma_start3A_69] : memref<2x512xi32, #tpu.memory_space<vmem>> -> memref<1x512xi32, #tpu.memory_space<vmem>>
      %dma_start3A_71 = tpu.memref_squeeze %dma_start3A_70 : memref<1x512xi32, #tpu.memory_space<vmem>> -> memref<512xi32, #tpu.memory_space<vmem>>
      %dma_start3A_72 = arith.constant 0 : i32
      %dma_start3A_73 = tpu.memref_slice %dma_start3A_71[%dma_start3A_72] : memref<512xi32, #tpu.memory_space<vmem>> -> memref<128xi32, #tpu.memory_space<vmem>>
      %dma_start3A_74 = arith.constant 0 : i32
      %dma_start3A_75 = arith.constant 0 : i32
      %dma_start3A_76 = tpu.memref_slice %arg3[%dma_start3A_74, %dma_start3A_75] : memref<1000000x64xf32, #tpu.memory_space<hbm>> -> memref<1000000x64xf32, #tpu.memory_space<hbm>>
      tpu.enqueue_indirect_dma source(%dma_start3A_76 : memref<1000000x64xf32, #tpu.memory_space<hbm>>) target(%dma_start3A_68 : memref<128x64xf32, #tpu.memory_space<vmem>>) offsets(%dma_start3A_73 : memref<128xi32, #tpu.memory_space<vmem>>) semaphore(%arg7 : memref<!tpu.dma_semaphore, #tpu.memory_space<semaphore_mem>>)
      %dma_start3A_77 = arith.constant 0 : i32
      %dma_start3A_78 = arith.constant 0 : i32
      %dma_start3A_79 = arith.constant 0 : i32
      %dma_start3A_80 = arith.constant 0 : i32
      %dma_start3A_81 = tpu.memref_slice %arg6[%dma_start3A_78, %dma_start3A_79, %dma_start3A_80] : memref<2x512x64xf32, #tpu.memory_space<vmem>> -> memref<1x512x64xf32, #tpu.memory_space<vmem>>
      %dma_start3A_82 = tpu.memref_squeeze %dma_start3A_81 : memref<1x512x64xf32, #tpu.memory_space<vmem>> -> memref<512x64xf32, #tpu.memory_space<vmem>>
      %dma_start3A_83 = arith.constant 128 : i32
      %dma_start3A_84 = arith.constant 0 : i32
      %dma_start3A_85 = tpu.memref_slice %dma_start3A_82[%dma_start3A_83, %dma_start3A_84] : memref<512x64xf32, #tpu.memory_space<vmem>> -> memref<128x64xf32, #tpu.memory_space<vmem>>
      %dma_start3A_86 = arith.constant 0 : i32
      %dma_start3A_87 = tpu.memref_slice %arg5[%dma_start3A_77, %dma_start3A_86] : memref<2x512xi32, #tpu.memory_space<vmem>> -> memref<1x512xi32, #tpu.memory_space<vmem>>
      %dma_start3A_88 = tpu.memref_squeeze %dma_start3A_87 : memref<1x512xi32, #tpu.memory_space<vmem>> -> memref<512xi32, #tpu.memory_space<vmem>>
      %dma_start3A_89 = arith.constant 128 : i32
      %dma_start3A_90 = tpu.memref_slice %dma_start3A_88[%dma_start3A_89] : memref<512xi32, #tpu.memory_space<vmem>> -> memref<128xi32, #tpu.memory_space<vmem>>
      %dma_start3A_91 = arith.constant 0 : i32
      %dma_start3A_92 = arith.constant 0 : i32
      %dma_start3A_93 = tpu.memref_slice %arg3[%dma_start3A_91, %dma_start3A_92] : memref<1000000x64xf32, #tpu.memory_space<hbm>> -> memref<1000000x64xf32, #tpu.memory_space<hbm>>
      tpu.enqueue_indirect_dma source(%dma_start3A_93 : memref<1000000x64xf32, #tpu.memory_space<hbm>>) target(%dma_start3A_85 : memref<128x64xf32, #tpu.memory_space<vmem>>) offsets(%dma_start3A_90 : memref<128xi32, #tpu.memory_space<vmem>>) semaphore(%arg7 : memref<!tpu.dma_semaphore, #tpu.memory_space<semaphore_mem>>)
      %dma_start3A_94 = arith.constant 0 : i32
      %dma_start3A_95 = arith.constant 0 : i32
      %dma_start3A_96 = arith.constant 0 : i32
      %dma_start3A_97 = arith.constant 0 : i32
      %dma_start3A_98 = tpu.memref_slice %arg6[%dma_start3A_95, %dma_start3A_96, %dma_start3A_97] : memref<2x512x64xf32, #tpu.memory_space<vmem>> -> memref<1x512x64xf32, #tpu.memory_space<vmem>>
      %dma_start3A_99 = tpu.memref_squeeze %dma_start3A_98 : memref<1x512x64xf32, #tpu.memory_space<vmem>> -> memref<512x64xf32, #tpu.memory_space<vmem>>
      %dma_start3A_100 = arith.constant 256 : i32
      %dma_start3A_101 = arith.constant 0 : i32
      %dma_start3A_102 = tpu.memref_slice %dma_start3A_99[%dma_start3A_100, %dma_start3A_101] : memref<512x64xf32, #tpu.memory_space<vmem>> -> memref<128x64xf32, #tpu.memory_space<vmem>>
      %dma_start3A_103 = arith.constant 0 : i32
      %dma_start3A_104 = tpu.memref_slice %arg5[%dma_start3A_94, %dma_start3A_103] : memref<2x512xi32, #tpu.memory_space<vmem>> -> memref<1x512xi32, #tpu.memory_space<vmem>>
      %dma_start3A_105 = tpu.memref_squeeze %dma_start3A_104 : memref<1x512xi32, #tpu.memory_space<vmem>> -> memref<512xi32, #tpu.memory_space<vmem>>
      %dma_start3A_106 = arith.constant 256 : i32
      %dma_start3A_107 = tpu.memref_slice %dma_start3A_105[%dma_start3A_106] : memref<512xi32, #tpu.memory_space<vmem>> -> memref<128xi32, #tpu.memory_space<vmem>>
      %dma_start3A_108 = arith.constant 0 : i32
      %dma_start3A_109 = arith.constant 0 : i32
      %dma_start3A_110 = tpu.memref_slice %arg3[%dma_start3A_108, %dma_start3A_109] : memref<1000000x64xf32, #tpu.memory_space<hbm>> -> memref<1000000x64xf32, #tpu.memory_space<hbm>>
      tpu.enqueue_indirect_dma source(%dma_start3A_110 : memref<1000000x64xf32, #tpu.memory_space<hbm>>) target(%dma_start3A_102 : memref<128x64xf32, #tpu.memory_space<vmem>>) offsets(%dma_start3A_107 : memref<128xi32, #tpu.memory_space<vmem>>) semaphore(%arg7 : memref<!tpu.dma_semaphore, #tpu.memory_space<semaphore_mem>>)
      %dma_start3A_111 = arith.constant 0 : i32
      %dma_start3A_112 = arith.constant 0 : i32
      %dma_start3A_113 = arith.constant 0 : i32
      %dma_start3A_114 = arith.constant 0 : i32
      %dma_start3A_115 = tpu.memref_slice %arg6[%dma_start3A_112, %dma_start3A_113, %dma_start3A_114] : memref<2x512x64xf32, #tpu.memory_space<vmem>> -> memref<1x512x64xf32, #tpu.memory_space<vmem>>
      %dma_start3A_116 = tpu.memref_squeeze %dma_start3A_115 : memref<1x512x64xf32, #tpu.memory_space<vmem>> -> memref<512x64xf32, #tpu.memory_space<vmem>>
      %dma_start3A_117 = arith.constant 384 : i32
      %dma_start3A_118 = arith.constant 0 : i32
      %dma_start3A_119 = tpu.memref_slice %dma_start3A_116[%dma_start3A_117, %dma_start3A_118] : memref<512x64xf32, #tpu.memory_space<vmem>> -> memref<128x64xf32, #tpu.memory_space<vmem>>
      %dma_start3A_120 = arith.constant 0 : i32
      %dma_start3A_121 = tpu.memref_slice %arg5[%dma_start3A_111, %dma_start3A_120] : memref<2x512xi32, #tpu.memory_space<vmem>> -> memref<1x512xi32, #tpu.memory_space<vmem>>
      %dma_start3A_122 = tpu.memref_squeeze %dma_start3A_121 : memref<1x512xi32, #tpu.memory_space<vmem>> -> memref<512xi32, #tpu.memory_space<vmem>>
      %dma_start3A_123 = arith.constant 384 : i32
      %dma_start3A_124 = tpu.memref_slice %dma_start3A_122[%dma_start3A_123] : memref<512xi32, #tpu.memory_space<vmem>> -> memref<128xi32, #tpu.memory_space<vmem>>
      %dma_start3A_125 = arith.constant 0 : i32
      %dma_start3A_126 = arith.constant 0 : i32
      %dma_start3A_127 = tpu.memref_slice %arg3[%dma_start3A_125, %dma_start3A_126] : memref<1000000x64xf32, #tpu.memory_space<hbm>> -> memref<1000000x64xf32, #tpu.memory_space<hbm>>
      tpu.enqueue_indirect_dma source(%dma_start3A_127 : memref<1000000x64xf32, #tpu.memory_space<hbm>>) target(%dma_start3A_119 : memref<128x64xf32, #tpu.memory_space<vmem>>) offsets(%dma_start3A_124 : memref<128xi32, #tpu.memory_space<vmem>>) semaphore(%arg7 : memref<!tpu.dma_semaphore, #tpu.memory_space<semaphore_mem>>)
      %add3A_128 = arith.constant 1 : i32
      %add3A_129 = arith.addi %add3A_45, %add3A_128 : i32
      %lt3A = arith.constant 26 : i32
      %lt3A_130 = arith.cmpi slt, %add3A_129, %lt3A : i32
      %convert_element_type3A_131 = arith.extui %lt3A_130 : i1 to i32
      %cond3A_132 = arith.constant 0 : i32
      %cond3A_133 = arith.cmpi ne, %convert_element_type3A_131, %cond3A_132 : i32
      scf.if %cond3A_133 {
        %add3A_392 = arith.constant 512 : i32
        %add3A_393 = arith.addi %add3A_48, %add3A_392 : i32
        %dma_start3A_394 = arith.constant 1 : i32
        %dma_start3A_395 = arith.constant 0 : i32
        %dma_start3A_396 = tpu.memref_slice %arg5[%dma_start3A_394, %dma_start3A_395] : memref<2x512xi32, #tpu.memory_space<vmem>> -> memref<1x512xi32, #tpu.memory_space<vmem>>
        %dma_start3A_397 = tpu.memref_squeeze %dma_start3A_396 : memref<1x512xi32, #tpu.memory_space<vmem>> -> memref<512xi32, #tpu.memory_space<vmem>>
        %dma_start3A_398 = tpu.memref_slice %arg2[%add3A_393] : memref<425984xi32, #tpu.memory_space<hbm>> -> memref<512xi32, #tpu.memory_space<hbm>>
        %dma_start3A_399 = arith.constant 0 : i32
        %dma_start3A_400 = tpu.memref_slice %arg5[%dma_start3A_394, %dma_start3A_399] : memref<2x512xi32, #tpu.memory_space<vmem>> -> memref<1x512xi32, #tpu.memory_space<vmem>>
        %dma_start3A_401 = tpu.memref_squeeze %dma_start3A_400 : memref<1x512xi32, #tpu.memory_space<vmem>> -> memref<512xi32, #tpu.memory_space<vmem>>
        %dma_start3A_402 = tpu.memref_slice %arg2[%add3A_393] : memref<425984xi32, #tpu.memory_space<hbm>> -> memref<512xi32, #tpu.memory_space<hbm>>
        tpu.enqueue_dma source(%dma_start3A_402 : memref<512xi32, #tpu.memory_space<hbm>>) target(%dma_start3A_401 : memref<512xi32, #tpu.memory_space<vmem>>) target_semaphore(%arg12 : memref<!tpu.dma_semaphore, #tpu.memory_space<semaphore_mem>>)
      } else {
      }
      %dma_wait3A_134 = arith.constant 0 : i32
      %dma_wait3A_135 = arith.constant 0 : i32
      %dma_wait3A_136 = arith.constant 0 : i32
      %dma_wait3A_137 = arith.constant 0 : i32
      %dma_wait3A_138 = tpu.memref_slice %arg6[%dma_wait3A_135, %dma_wait3A_136, %dma_wait3A_137] : memref<2x512x64xf32, #tpu.memory_space<vmem>> -> memref<1x512x64xf32, #tpu.memory_space<vmem>>
      %dma_wait3A_139 = tpu.memref_squeeze %dma_wait3A_138 : memref<1x512x64xf32, #tpu.memory_space<vmem>> -> memref<512x64xf32, #tpu.memory_space<vmem>>
      %dma_wait3A_140 = arith.constant 0 : i32
      %dma_wait3A_141 = arith.constant 0 : i32
      %dma_wait3A_142 = tpu.memref_slice %dma_wait3A_139[%dma_wait3A_140, %dma_wait3A_141] : memref<512x64xf32, #tpu.memory_space<vmem>> -> memref<128x64xf32, #tpu.memory_space<vmem>>
      %dma_wait3A_143 = arith.constant 0 : i32
      %dma_wait3A_144 = tpu.memref_slice %arg5[%dma_wait3A_134, %dma_wait3A_143] : memref<2x512xi32, #tpu.memory_space<vmem>> -> memref<1x512xi32, #tpu.memory_space<vmem>>
      %dma_wait3A_145 = tpu.memref_squeeze %dma_wait3A_144 : memref<1x512xi32, #tpu.memory_space<vmem>> -> memref<512xi32, #tpu.memory_space<vmem>>
      %dma_wait3A_146 = arith.constant 0 : i32
      %dma_wait3A_147 = tpu.memref_slice %dma_wait3A_145[%dma_wait3A_146] : memref<512xi32, #tpu.memory_space<vmem>> -> memref<128xi32, #tpu.memory_space<vmem>>
      %dma_wait3A_148 = arith.constant 0 : i32
      %dma_wait3A_149 = arith.constant 0 : i32
      %dma_wait3A_150 = tpu.memref_slice %arg3[%dma_wait3A_148, %dma_wait3A_149] : memref<1000000x64xf32, #tpu.memory_space<hbm>> -> memref<1000000x64xf32, #tpu.memory_space<hbm>>
      tpu.wait_indirect_dma semaphore(%arg7 : memref<!tpu.dma_semaphore, #tpu.memory_space<semaphore_mem>>) src(%dma_wait3A_150 : memref<1000000x64xf32, #tpu.memory_space<hbm>>) dst(%dma_wait3A_142 : memref<128x64xf32, #tpu.memory_space<vmem>>)
      %dma_wait3A_151 = arith.constant 0 : i32
      %dma_wait3A_152 = arith.constant 0 : i32
      %dma_wait3A_153 = arith.constant 0 : i32
      %dma_wait3A_154 = arith.constant 0 : i32
      %dma_wait3A_155 = tpu.memref_slice %arg6[%dma_wait3A_152, %dma_wait3A_153, %dma_wait3A_154] : memref<2x512x64xf32, #tpu.memory_space<vmem>> -> memref<1x512x64xf32, #tpu.memory_space<vmem>>
      %dma_wait3A_156 = tpu.memref_squeeze %dma_wait3A_155 : memref<1x512x64xf32, #tpu.memory_space<vmem>> -> memref<512x64xf32, #tpu.memory_space<vmem>>
      %dma_wait3A_157 = arith.constant 128 : i32
      %dma_wait3A_158 = arith.constant 0 : i32
      %dma_wait3A_159 = tpu.memref_slice %dma_wait3A_156[%dma_wait3A_157, %dma_wait3A_158] : memref<512x64xf32, #tpu.memory_space<vmem>> -> memref<128x64xf32, #tpu.memory_space<vmem>>
      %dma_wait3A_160 = arith.constant 0 : i32
      %dma_wait3A_161 = tpu.memref_slice %arg5[%dma_wait3A_151, %dma_wait3A_160] : memref<2x512xi32, #tpu.memory_space<vmem>> -> memref<1x512xi32, #tpu.memory_space<vmem>>
      %dma_wait3A_162 = tpu.memref_squeeze %dma_wait3A_161 : memref<1x512xi32, #tpu.memory_space<vmem>> -> memref<512xi32, #tpu.memory_space<vmem>>
      %dma_wait3A_163 = arith.constant 128 : i32
      %dma_wait3A_164 = tpu.memref_slice %dma_wait3A_162[%dma_wait3A_163] : memref<512xi32, #tpu.memory_space<vmem>> -> memref<128xi32, #tpu.memory_space<vmem>>
      %dma_wait3A_165 = arith.constant 0 : i32
      %dma_wait3A_166 = arith.constant 0 : i32
      %dma_wait3A_167 = tpu.memref_slice %arg3[%dma_wait3A_165, %dma_wait3A_166] : memref<1000000x64xf32, #tpu.memory_space<hbm>> -> memref<1000000x64xf32, #tpu.memory_space<hbm>>
      tpu.wait_indirect_dma semaphore(%arg7 : memref<!tpu.dma_semaphore, #tpu.memory_space<semaphore_mem>>) src(%dma_wait3A_167 : memref<1000000x64xf32, #tpu.memory_space<hbm>>) dst(%dma_wait3A_159 : memref<128x64xf32, #tpu.memory_space<vmem>>)
      %dma_wait3A_168 = arith.constant 0 : i32
      %dma_wait3A_169 = arith.constant 0 : i32
      %dma_wait3A_170 = arith.constant 0 : i32
      %dma_wait3A_171 = arith.constant 0 : i32
      %dma_wait3A_172 = tpu.memref_slice %arg6[%dma_wait3A_169, %dma_wait3A_170, %dma_wait3A_171] : memref<2x512x64xf32, #tpu.memory_space<vmem>> -> memref<1x512x64xf32, #tpu.memory_space<vmem>>
      %dma_wait3A_173 = tpu.memref_squeeze %dma_wait3A_172 : memref<1x512x64xf32, #tpu.memory_space<vmem>> -> memref<512x64xf32, #tpu.memory_space<vmem>>
      %dma_wait3A_174 = arith.constant 256 : i32
      %dma_wait3A_175 = arith.constant 0 : i32
      %dma_wait3A_176 = tpu.memref_slice %dma_wait3A_173[%dma_wait3A_174, %dma_wait3A_175] : memref<512x64xf32, #tpu.memory_space<vmem>> -> memref<128x64xf32, #tpu.memory_space<vmem>>
      %dma_wait3A_177 = arith.constant 0 : i32
      %dma_wait3A_178 = tpu.memref_slice %arg5[%dma_wait3A_168, %dma_wait3A_177] : memref<2x512xi32, #tpu.memory_space<vmem>> -> memref<1x512xi32, #tpu.memory_space<vmem>>
      %dma_wait3A_179 = tpu.memref_squeeze %dma_wait3A_178 : memref<1x512xi32, #tpu.memory_space<vmem>> -> memref<512xi32, #tpu.memory_space<vmem>>
      %dma_wait3A_180 = arith.constant 256 : i32
      %dma_wait3A_181 = tpu.memref_slice %dma_wait3A_179[%dma_wait3A_180] : memref<512xi32, #tpu.memory_space<vmem>> -> memref<128xi32, #tpu.memory_space<vmem>>
      %dma_wait3A_182 = arith.constant 0 : i32
      %dma_wait3A_183 = arith.constant 0 : i32
      %dma_wait3A_184 = tpu.memref_slice %arg3[%dma_wait3A_182, %dma_wait3A_183] : memref<1000000x64xf32, #tpu.memory_space<hbm>> -> memref<1000000x64xf32, #tpu.memory_space<hbm>>
      tpu.wait_indirect_dma semaphore(%arg7 : memref<!tpu.dma_semaphore, #tpu.memory_space<semaphore_mem>>) src(%dma_wait3A_184 : memref<1000000x64xf32, #tpu.memory_space<hbm>>) dst(%dma_wait3A_176 : memref<128x64xf32, #tpu.memory_space<vmem>>)
      %dma_wait3A_185 = arith.constant 0 : i32
      %dma_wait3A_186 = arith.constant 0 : i32
      %dma_wait3A_187 = arith.constant 0 : i32
      %dma_wait3A_188 = arith.constant 0 : i32
      %dma_wait3A_189 = tpu.memref_slice %arg6[%dma_wait3A_186, %dma_wait3A_187, %dma_wait3A_188] : memref<2x512x64xf32, #tpu.memory_space<vmem>> -> memref<1x512x64xf32, #tpu.memory_space<vmem>>
      %dma_wait3A_190 = tpu.memref_squeeze %dma_wait3A_189 : memref<1x512x64xf32, #tpu.memory_space<vmem>> -> memref<512x64xf32, #tpu.memory_space<vmem>>
      %dma_wait3A_191 = arith.constant 384 : i32
      %dma_wait3A_192 = arith.constant 0 : i32
      %dma_wait3A_193 = tpu.memref_slice %dma_wait3A_190[%dma_wait3A_191, %dma_wait3A_192] : memref<512x64xf32, #tpu.memory_space<vmem>> -> memref<128x64xf32, #tpu.memory_space<vmem>>
      %dma_wait3A_194 = arith.constant 0 : i32
      %dma_wait3A_195 = tpu.memref_slice %arg5[%dma_wait3A_185, %dma_wait3A_194] : memref<2x512xi32, #tpu.memory_space<vmem>> -> memref<1x512xi32, #tpu.memory_space<vmem>>
      %dma_wait3A_196 = tpu.memref_squeeze %dma_wait3A_195 : memref<1x512xi32, #tpu.memory_space<vmem>> -> memref<512xi32, #tpu.memory_space<vmem>>
      %dma_wait3A_197 = arith.constant 384 : i32
      %dma_wait3A_198 = tpu.memref_slice %dma_wait3A_196[%dma_wait3A_197] : memref<512xi32, #tpu.memory_space<vmem>> -> memref<128xi32, #tpu.memory_space<vmem>>
      %dma_wait3A_199 = arith.constant 0 : i32
      %dma_wait3A_200 = arith.constant 0 : i32
      %dma_wait3A_201 = tpu.memref_slice %arg3[%dma_wait3A_199, %dma_wait3A_200] : memref<1000000x64xf32, #tpu.memory_space<hbm>> -> memref<1000000x64xf32, #tpu.memory_space<hbm>>
      tpu.wait_indirect_dma semaphore(%arg7 : memref<!tpu.dma_semaphore, #tpu.memory_space<semaphore_mem>>) src(%dma_wait3A_201 : memref<1000000x64xf32, #tpu.memory_space<hbm>>) dst(%dma_wait3A_193 : memref<128x64xf32, #tpu.memory_space<vmem>>)
      %dma_start3A_202 = arith.constant 0 : i32
      %dma_start3A_203 = arith.constant 0 : i32
      %dma_start3A_204 = arith.constant 0 : i32
      %dma_start3A_205 = tpu.memref_slice %arg6[%dma_start3A_202, %dma_start3A_203, %dma_start3A_204] : memref<2x512x64xf32, #tpu.memory_space<vmem>> -> memref<1x512x64xf32, #tpu.memory_space<vmem>>
      %dma_start3A_206 = tpu.memref_squeeze %dma_start3A_205 : memref<1x512x64xf32, #tpu.memory_space<vmem>> -> memref<512x64xf32, #tpu.memory_space<vmem>>
      %dma_start3A_207 = arith.constant 0 : i32
      %dma_start3A_208 = tpu.memref_slice %arg4[%add3A_48, %dma_start3A_207] : memref<425984x64xf32, #tpu.memory_space<hbm>> -> memref<512x64xf32, #tpu.memory_space<hbm>>
      %dma_start3A_209 = arith.constant 0 : i32
      %dma_start3A_210 = tpu.memref_slice %arg4[%add3A_48, %dma_start3A_209] : memref<425984x64xf32, #tpu.memory_space<hbm>> -> memref<512x64xf32, #tpu.memory_space<hbm>>
      %dma_start3A_211 = arith.constant 0 : i32
      %dma_start3A_212 = arith.constant 0 : i32
      %dma_start3A_213 = tpu.memref_slice %arg6[%dma_start3A_202, %dma_start3A_211, %dma_start3A_212] : memref<2x512x64xf32, #tpu.memory_space<vmem>> -> memref<1x512x64xf32, #tpu.memory_space<vmem>>
      %dma_start3A_214 = tpu.memref_squeeze %dma_start3A_213 : memref<1x512x64xf32, #tpu.memory_space<vmem>> -> memref<512x64xf32, #tpu.memory_space<vmem>>
      tpu.enqueue_dma source(%dma_start3A_214 : memref<512x64xf32, #tpu.memory_space<vmem>>) target(%dma_start3A_210 : memref<512x64xf32, #tpu.memory_space<hbm>>) target_semaphore(%arg9 : memref<!tpu.dma_semaphore, #tpu.memory_space<semaphore_mem>>)
      %mul3A_215 = arith.constant 2 : i32
      %mul3A_216 = arith.muli %scan3A_41, %mul3A_215 : i32
      %add3A_217 = arith.constant 1 : i32
      %add3A_218 = arith.addi %mul3A_216, %add3A_217 : i32
      %mul3A_219 = arith.constant 512 : i32
      %mul3A_220 = arith.muli %add3A_218, %mul3A_219 : i32
      %add3A_221 = arith.addi %mul3A_2, %mul3A_220 : i32
      %dma_wait3A_222 = arith.constant 1 : i32
      %dma_wait3A_223 = arith.constant 0 : i32
      %dma_wait3A_224 = tpu.memref_slice %arg5[%dma_wait3A_222, %dma_wait3A_223] : memref<2x512xi32, #tpu.memory_space<vmem>> -> memref<1x512xi32, #tpu.memory_space<vmem>>
      %dma_wait3A_225 = tpu.memref_squeeze %dma_wait3A_224 : memref<1x512xi32, #tpu.memory_space<vmem>> -> memref<512xi32, #tpu.memory_space<vmem>>
      %dma_wait3A_226 = tpu.memref_slice %arg2[%add3A_221] : memref<425984xi32, #tpu.memory_space<hbm>> -> memref<512xi32, #tpu.memory_space<hbm>>
      %dma_wait3A_227 = arith.constant 0 : i32
      %dma_wait3A_228 = tpu.memref_slice %arg5[%dma_wait3A_222, %dma_wait3A_227] : memref<2x512xi32, #tpu.memory_space<vmem>> -> memref<1x512xi32, #tpu.memory_space<vmem>>
      %dma_wait3A_229 = tpu.memref_squeeze %dma_wait3A_228 : memref<1x512xi32, #tpu.memory_space<vmem>> -> memref<512xi32, #tpu.memory_space<vmem>>
      %dma_wait3A_230 = tpu.memref_slice %arg2[%add3A_221] : memref<425984xi32, #tpu.memory_space<hbm>> -> memref<512xi32, #tpu.memory_space<hbm>>
      tpu.wait_dma2 semaphore(%arg12 : memref<!tpu.dma_semaphore, #tpu.memory_space<semaphore_mem>>) src(%dma_wait3A_230 : memref<512xi32, #tpu.memory_space<hbm>>) dst(%dma_wait3A_229 : memref<512xi32, #tpu.memory_space<vmem>>)
      %ge3A_231 = arith.constant 2 : i32
      %ge3A_232 = arith.cmpi sge, %add3A_218, %ge3A_231 : i32
      %convert_element_type3A_233 = arith.extui %ge3A_232 : i1 to i32
      %cond3A_234 = arith.constant 0 : i32
      %cond3A_235 = arith.cmpi ne, %convert_element_type3A_233, %cond3A_234 : i32
      scf.if %cond3A_235 {
        %dma_wait3A_392 = arith.constant 1 : i32
        %dma_wait3A_393 = arith.constant 0 : i32
        %dma_wait3A_394 = arith.constant 0 : i32
        %dma_wait3A_395 = tpu.memref_slice %arg6[%dma_wait3A_392, %dma_wait3A_393, %dma_wait3A_394] : memref<2x512x64xf32, #tpu.memory_space<vmem>> -> memref<1x512x64xf32, #tpu.memory_space<vmem>>
        %dma_wait3A_396 = tpu.memref_squeeze %dma_wait3A_395 : memref<1x512x64xf32, #tpu.memory_space<vmem>> -> memref<512x64xf32, #tpu.memory_space<vmem>>
        %dma_wait3A_397 = arith.constant 0 : i32
        %dma_wait3A_398 = tpu.memref_slice %arg4[%add3A_221, %dma_wait3A_397] : memref<425984x64xf32, #tpu.memory_space<hbm>> -> memref<512x64xf32, #tpu.memory_space<hbm>>
        %dma_wait3A_399 = arith.constant 0 : i32
        %dma_wait3A_400 = tpu.memref_slice %arg4[%add3A_221, %dma_wait3A_399] : memref<425984x64xf32, #tpu.memory_space<hbm>> -> memref<512x64xf32, #tpu.memory_space<hbm>>
        %dma_wait3A_401 = arith.constant 0 : i32
        %dma_wait3A_402 = arith.constant 0 : i32
        %dma_wait3A_403 = tpu.memref_slice %arg6[%dma_wait3A_392, %dma_wait3A_401, %dma_wait3A_402] : memref<2x512x64xf32, #tpu.memory_space<vmem>> -> memref<1x512x64xf32, #tpu.memory_space<vmem>>
        %dma_wait3A_404 = tpu.memref_squeeze %dma_wait3A_403 : memref<1x512x64xf32, #tpu.memory_space<vmem>> -> memref<512x64xf32, #tpu.memory_space<vmem>>
        tpu.wait_dma2 semaphore(%arg10 : memref<!tpu.dma_semaphore, #tpu.memory_space<semaphore_mem>>) src(%dma_wait3A_404 : memref<512x64xf32, #tpu.memory_space<vmem>>) dst(%dma_wait3A_400 : memref<512x64xf32, #tpu.memory_space<hbm>>)
      } else {
      }
      %dma_start3A_236 = arith.constant 1 : i32
      %dma_start3A_237 = arith.constant 1 : i32
      %dma_start3A_238 = arith.constant 0 : i32
      %dma_start3A_239 = arith.constant 0 : i32
      %dma_start3A_240 = tpu.memref_slice %arg6[%dma_start3A_237, %dma_start3A_238, %dma_start3A_239] : memref<2x512x64xf32, #tpu.memory_space<vmem>> -> memref<1x512x64xf32, #tpu.memory_space<vmem>>
      %dma_start3A_241 = tpu.memref_squeeze %dma_start3A_240 : memref<1x512x64xf32, #tpu.memory_space<vmem>> -> memref<512x64xf32, #tpu.memory_space<vmem>>
      %dma_start3A_242 = arith.constant 0 : i32
      %dma_start3A_243 = arith.constant 0 : i32
      %dma_start3A_244 = tpu.memref_slice %dma_start3A_241[%dma_start3A_242, %dma_start3A_243] : memref<512x64xf32, #tpu.memory_space<vmem>> -> memref<128x64xf32, #tpu.memory_space<vmem>>
      %dma_start3A_245 = arith.constant 0 : i32
      %dma_start3A_246 = tpu.memref_slice %arg5[%dma_start3A_236, %dma_start3A_245] : memref<2x512xi32, #tpu.memory_space<vmem>> -> memref<1x512xi32, #tpu.memory_space<vmem>>
      %dma_start3A_247 = tpu.memref_squeeze %dma_start3A_246 : memref<1x512xi32, #tpu.memory_space<vmem>> -> memref<512xi32, #tpu.memory_space<vmem>>
      %dma_start3A_248 = arith.constant 0 : i32
      %dma_start3A_249 = tpu.memref_slice %dma_start3A_247[%dma_start3A_248] : memref<512xi32, #tpu.memory_space<vmem>> -> memref<128xi32, #tpu.memory_space<vmem>>
      %dma_start3A_250 = arith.constant 0 : i32
      %dma_start3A_251 = arith.constant 0 : i32
      %dma_start3A_252 = tpu.memref_slice %arg3[%dma_start3A_250, %dma_start3A_251] : memref<1000000x64xf32, #tpu.memory_space<hbm>> -> memref<1000000x64xf32, #tpu.memory_space<hbm>>
      tpu.enqueue_indirect_dma source(%dma_start3A_252 : memref<1000000x64xf32, #tpu.memory_space<hbm>>) target(%dma_start3A_244 : memref<128x64xf32, #tpu.memory_space<vmem>>) offsets(%dma_start3A_249 : memref<128xi32, #tpu.memory_space<vmem>>) semaphore(%arg8 : memref<!tpu.dma_semaphore, #tpu.memory_space<semaphore_mem>>)
      %dma_start3A_253 = arith.constant 1 : i32
      %dma_start3A_254 = arith.constant 1 : i32
      %dma_start3A_255 = arith.constant 0 : i32
      %dma_start3A_256 = arith.constant 0 : i32
      %dma_start3A_257 = tpu.memref_slice %arg6[%dma_start3A_254, %dma_start3A_255, %dma_start3A_256] : memref<2x512x64xf32, #tpu.memory_space<vmem>> -> memref<1x512x64xf32, #tpu.memory_space<vmem>>
      %dma_start3A_258 = tpu.memref_squeeze %dma_start3A_257 : memref<1x512x64xf32, #tpu.memory_space<vmem>> -> memref<512x64xf32, #tpu.memory_space<vmem>>
      %dma_start3A_259 = arith.constant 128 : i32
      %dma_start3A_260 = arith.constant 0 : i32
      %dma_start3A_261 = tpu.memref_slice %dma_start3A_258[%dma_start3A_259, %dma_start3A_260] : memref<512x64xf32, #tpu.memory_space<vmem>> -> memref<128x64xf32, #tpu.memory_space<vmem>>
      %dma_start3A_262 = arith.constant 0 : i32
      %dma_start3A_263 = tpu.memref_slice %arg5[%dma_start3A_253, %dma_start3A_262] : memref<2x512xi32, #tpu.memory_space<vmem>> -> memref<1x512xi32, #tpu.memory_space<vmem>>
      %dma_start3A_264 = tpu.memref_squeeze %dma_start3A_263 : memref<1x512xi32, #tpu.memory_space<vmem>> -> memref<512xi32, #tpu.memory_space<vmem>>
      %dma_start3A_265 = arith.constant 128 : i32
      %dma_start3A_266 = tpu.memref_slice %dma_start3A_264[%dma_start3A_265] : memref<512xi32, #tpu.memory_space<vmem>> -> memref<128xi32, #tpu.memory_space<vmem>>
      %dma_start3A_267 = arith.constant 0 : i32
      %dma_start3A_268 = arith.constant 0 : i32
      %dma_start3A_269 = tpu.memref_slice %arg3[%dma_start3A_267, %dma_start3A_268] : memref<1000000x64xf32, #tpu.memory_space<hbm>> -> memref<1000000x64xf32, #tpu.memory_space<hbm>>
      tpu.enqueue_indirect_dma source(%dma_start3A_269 : memref<1000000x64xf32, #tpu.memory_space<hbm>>) target(%dma_start3A_261 : memref<128x64xf32, #tpu.memory_space<vmem>>) offsets(%dma_start3A_266 : memref<128xi32, #tpu.memory_space<vmem>>) semaphore(%arg8 : memref<!tpu.dma_semaphore, #tpu.memory_space<semaphore_mem>>)
      %dma_start3A_270 = arith.constant 1 : i32
      %dma_start3A_271 = arith.constant 1 : i32
      %dma_start3A_272 = arith.constant 0 : i32
      %dma_start3A_273 = arith.constant 0 : i32
      %dma_start3A_274 = tpu.memref_slice %arg6[%dma_start3A_271, %dma_start3A_272, %dma_start3A_273] : memref<2x512x64xf32, #tpu.memory_space<vmem>> -> memref<1x512x64xf32, #tpu.memory_space<vmem>>
      %dma_start3A_275 = tpu.memref_squeeze %dma_start3A_274 : memref<1x512x64xf32, #tpu.memory_space<vmem>> -> memref<512x64xf32, #tpu.memory_space<vmem>>
      %dma_start3A_276 = arith.constant 256 : i32
      %dma_start3A_277 = arith.constant 0 : i32
      %dma_start3A_278 = tpu.memref_slice %dma_start3A_275[%dma_start3A_276, %dma_start3A_277] : memref<512x64xf32, #tpu.memory_space<vmem>> -> memref<128x64xf32, #tpu.memory_space<vmem>>
      %dma_start3A_279 = arith.constant 0 : i32
      %dma_start3A_280 = tpu.memref_slice %arg5[%dma_start3A_270, %dma_start3A_279] : memref<2x512xi32, #tpu.memory_space<vmem>> -> memref<1x512xi32, #tpu.memory_space<vmem>>
      %dma_start3A_281 = tpu.memref_squeeze %dma_start3A_280 : memref<1x512xi32, #tpu.memory_space<vmem>> -> memref<512xi32, #tpu.memory_space<vmem>>
      %dma_start3A_282 = arith.constant 256 : i32
      %dma_start3A_283 = tpu.memref_slice %dma_start3A_281[%dma_start3A_282] : memref<512xi32, #tpu.memory_space<vmem>> -> memref<128xi32, #tpu.memory_space<vmem>>
      %dma_start3A_284 = arith.constant 0 : i32
      %dma_start3A_285 = arith.constant 0 : i32
      %dma_start3A_286 = tpu.memref_slice %arg3[%dma_start3A_284, %dma_start3A_285] : memref<1000000x64xf32, #tpu.memory_space<hbm>> -> memref<1000000x64xf32, #tpu.memory_space<hbm>>
      tpu.enqueue_indirect_dma source(%dma_start3A_286 : memref<1000000x64xf32, #tpu.memory_space<hbm>>) target(%dma_start3A_278 : memref<128x64xf32, #tpu.memory_space<vmem>>) offsets(%dma_start3A_283 : memref<128xi32, #tpu.memory_space<vmem>>) semaphore(%arg8 : memref<!tpu.dma_semaphore, #tpu.memory_space<semaphore_mem>>)
      %dma_start3A_287 = arith.constant 1 : i32
      %dma_start3A_288 = arith.constant 1 : i32
      %dma_start3A_289 = arith.constant 0 : i32
      %dma_start3A_290 = arith.constant 0 : i32
      %dma_start3A_291 = tpu.memref_slice %arg6[%dma_start3A_288, %dma_start3A_289, %dma_start3A_290] : memref<2x512x64xf32, #tpu.memory_space<vmem>> -> memref<1x512x64xf32, #tpu.memory_space<vmem>>
      %dma_start3A_292 = tpu.memref_squeeze %dma_start3A_291 : memref<1x512x64xf32, #tpu.memory_space<vmem>> -> memref<512x64xf32, #tpu.memory_space<vmem>>
      %dma_start3A_293 = arith.constant 384 : i32
      %dma_start3A_294 = arith.constant 0 : i32
      %dma_start3A_295 = tpu.memref_slice %dma_start3A_292[%dma_start3A_293, %dma_start3A_294] : memref<512x64xf32, #tpu.memory_space<vmem>> -> memref<128x64xf32, #tpu.memory_space<vmem>>
      %dma_start3A_296 = arith.constant 0 : i32
      %dma_start3A_297 = tpu.memref_slice %arg5[%dma_start3A_287, %dma_start3A_296] : memref<2x512xi32, #tpu.memory_space<vmem>> -> memref<1x512xi32, #tpu.memory_space<vmem>>
      %dma_start3A_298 = tpu.memref_squeeze %dma_start3A_297 : memref<1x512xi32, #tpu.memory_space<vmem>> -> memref<512xi32, #tpu.memory_space<vmem>>
      %dma_start3A_299 = arith.constant 384 : i32
      %dma_start3A_300 = tpu.memref_slice %dma_start3A_298[%dma_start3A_299] : memref<512xi32, #tpu.memory_space<vmem>> -> memref<128xi32, #tpu.memory_space<vmem>>
      %dma_start3A_301 = arith.constant 0 : i32
      %dma_start3A_302 = arith.constant 0 : i32
      %dma_start3A_303 = tpu.memref_slice %arg3[%dma_start3A_301, %dma_start3A_302] : memref<1000000x64xf32, #tpu.memory_space<hbm>> -> memref<1000000x64xf32, #tpu.memory_space<hbm>>
      tpu.enqueue_indirect_dma source(%dma_start3A_303 : memref<1000000x64xf32, #tpu.memory_space<hbm>>) target(%dma_start3A_295 : memref<128x64xf32, #tpu.memory_space<vmem>>) offsets(%dma_start3A_300 : memref<128xi32, #tpu.memory_space<vmem>>) semaphore(%arg8 : memref<!tpu.dma_semaphore, #tpu.memory_space<semaphore_mem>>)
      %add3A_304 = arith.constant 1 : i32
      %add3A_305 = arith.addi %add3A_218, %add3A_304 : i32
      %lt3A_306 = arith.constant 26 : i32
      %lt3A_307 = arith.cmpi slt, %add3A_305, %lt3A_306 : i32
      %convert_element_type3A_308 = arith.extui %lt3A_307 : i1 to i32
      %cond3A_309 = arith.constant 0 : i32
      %cond3A_310 = arith.cmpi ne, %convert_element_type3A_308, %cond3A_309 : i32
      scf.if %cond3A_310 {
        %add3A_392 = arith.constant 512 : i32
        %add3A_393 = arith.addi %add3A_221, %add3A_392 : i32
        %dma_start3A_394 = arith.constant 0 : i32
        %dma_start3A_395 = arith.constant 0 : i32
        %dma_start3A_396 = tpu.memref_slice %arg5[%dma_start3A_394, %dma_start3A_395] : memref<2x512xi32, #tpu.memory_space<vmem>> -> memref<1x512xi32, #tpu.memory_space<vmem>>
        %dma_start3A_397 = tpu.memref_squeeze %dma_start3A_396 : memref<1x512xi32, #tpu.memory_space<vmem>> -> memref<512xi32, #tpu.memory_space<vmem>>
        %dma_start3A_398 = tpu.memref_slice %arg2[%add3A_393] : memref<425984xi32, #tpu.memory_space<hbm>> -> memref<512xi32, #tpu.memory_space<hbm>>
        %dma_start3A_399 = arith.constant 0 : i32
        %dma_start3A_400 = tpu.memref_slice %arg5[%dma_start3A_394, %dma_start3A_399] : memref<2x512xi32, #tpu.memory_space<vmem>> -> memref<1x512xi32, #tpu.memory_space<vmem>>
        %dma_start3A_401 = tpu.memref_squeeze %dma_start3A_400 : memref<1x512xi32, #tpu.memory_space<vmem>> -> memref<512xi32, #tpu.memory_space<vmem>>
        %dma_start3A_402 = tpu.memref_slice %arg2[%add3A_393] : memref<425984xi32, #tpu.memory_space<hbm>> -> memref<512xi32, #tpu.memory_space<hbm>>
        tpu.enqueue_dma source(%dma_start3A_402 : memref<512xi32, #tpu.memory_space<hbm>>) target(%dma_start3A_401 : memref<512xi32, #tpu.memory_space<vmem>>) target_semaphore(%arg11 : memref<!tpu.dma_semaphore, #tpu.memory_space<semaphore_mem>>)
      } else {
      }
      %dma_wait3A_311 = arith.constant 1 : i32
      %dma_wait3A_312 = arith.constant 1 : i32
      %dma_wait3A_313 = arith.constant 0 : i32
      %dma_wait3A_314 = arith.constant 0 : i32
      %dma_wait3A_315 = tpu.memref_slice %arg6[%dma_wait3A_312, %dma_wait3A_313, %dma_wait3A_314] : memref<2x512x64xf32, #tpu.memory_space<vmem>> -> memref<1x512x64xf32, #tpu.memory_space<vmem>>
      %dma_wait3A_316 = tpu.memref_squeeze %dma_wait3A_315 : memref<1x512x64xf32, #tpu.memory_space<vmem>> -> memref<512x64xf32, #tpu.memory_space<vmem>>
      %dma_wait3A_317 = arith.constant 0 : i32
      %dma_wait3A_318 = arith.constant 0 : i32
      %dma_wait3A_319 = tpu.memref_slice %dma_wait3A_316[%dma_wait3A_317, %dma_wait3A_318] : memref<512x64xf32, #tpu.memory_space<vmem>> -> memref<128x64xf32, #tpu.memory_space<vmem>>
      %dma_wait3A_320 = arith.constant 0 : i32
      %dma_wait3A_321 = tpu.memref_slice %arg5[%dma_wait3A_311, %dma_wait3A_320] : memref<2x512xi32, #tpu.memory_space<vmem>> -> memref<1x512xi32, #tpu.memory_space<vmem>>
      %dma_wait3A_322 = tpu.memref_squeeze %dma_wait3A_321 : memref<1x512xi32, #tpu.memory_space<vmem>> -> memref<512xi32, #tpu.memory_space<vmem>>
      %dma_wait3A_323 = arith.constant 0 : i32
      %dma_wait3A_324 = tpu.memref_slice %dma_wait3A_322[%dma_wait3A_323] : memref<512xi32, #tpu.memory_space<vmem>> -> memref<128xi32, #tpu.memory_space<vmem>>
      %dma_wait3A_325 = arith.constant 0 : i32
      %dma_wait3A_326 = arith.constant 0 : i32
      %dma_wait3A_327 = tpu.memref_slice %arg3[%dma_wait3A_325, %dma_wait3A_326] : memref<1000000x64xf32, #tpu.memory_space<hbm>> -> memref<1000000x64xf32, #tpu.memory_space<hbm>>
      tpu.wait_indirect_dma semaphore(%arg8 : memref<!tpu.dma_semaphore, #tpu.memory_space<semaphore_mem>>) src(%dma_wait3A_327 : memref<1000000x64xf32, #tpu.memory_space<hbm>>) dst(%dma_wait3A_319 : memref<128x64xf32, #tpu.memory_space<vmem>>)
      %dma_wait3A_328 = arith.constant 1 : i32
      %dma_wait3A_329 = arith.constant 1 : i32
      %dma_wait3A_330 = arith.constant 0 : i32
      %dma_wait3A_331 = arith.constant 0 : i32
      %dma_wait3A_332 = tpu.memref_slice %arg6[%dma_wait3A_329, %dma_wait3A_330, %dma_wait3A_331] : memref<2x512x64xf32, #tpu.memory_space<vmem>> -> memref<1x512x64xf32, #tpu.memory_space<vmem>>
      %dma_wait3A_333 = tpu.memref_squeeze %dma_wait3A_332 : memref<1x512x64xf32, #tpu.memory_space<vmem>> -> memref<512x64xf32, #tpu.memory_space<vmem>>
      %dma_wait3A_334 = arith.constant 128 : i32
      %dma_wait3A_335 = arith.constant 0 : i32
      %dma_wait3A_336 = tpu.memref_slice %dma_wait3A_333[%dma_wait3A_334, %dma_wait3A_335] : memref<512x64xf32, #tpu.memory_space<vmem>> -> memref<128x64xf32, #tpu.memory_space<vmem>>
      %dma_wait3A_337 = arith.constant 0 : i32
      %dma_wait3A_338 = tpu.memref_slice %arg5[%dma_wait3A_328, %dma_wait3A_337] : memref<2x512xi32, #tpu.memory_space<vmem>> -> memref<1x512xi32, #tpu.memory_space<vmem>>
      %dma_wait3A_339 = tpu.memref_squeeze %dma_wait3A_338 : memref<1x512xi32, #tpu.memory_space<vmem>> -> memref<512xi32, #tpu.memory_space<vmem>>
      %dma_wait3A_340 = arith.constant 128 : i32
      %dma_wait3A_341 = tpu.memref_slice %dma_wait3A_339[%dma_wait3A_340] : memref<512xi32, #tpu.memory_space<vmem>> -> memref<128xi32, #tpu.memory_space<vmem>>
      %dma_wait3A_342 = arith.constant 0 : i32
      %dma_wait3A_343 = arith.constant 0 : i32
      %dma_wait3A_344 = tpu.memref_slice %arg3[%dma_wait3A_342, %dma_wait3A_343] : memref<1000000x64xf32, #tpu.memory_space<hbm>> -> memref<1000000x64xf32, #tpu.memory_space<hbm>>
      tpu.wait_indirect_dma semaphore(%arg8 : memref<!tpu.dma_semaphore, #tpu.memory_space<semaphore_mem>>) src(%dma_wait3A_344 : memref<1000000x64xf32, #tpu.memory_space<hbm>>) dst(%dma_wait3A_336 : memref<128x64xf32, #tpu.memory_space<vmem>>)
      %dma_wait3A_345 = arith.constant 1 : i32
      %dma_wait3A_346 = arith.constant 1 : i32
      %dma_wait3A_347 = arith.constant 0 : i32
      %dma_wait3A_348 = arith.constant 0 : i32
      %dma_wait3A_349 = tpu.memref_slice %arg6[%dma_wait3A_346, %dma_wait3A_347, %dma_wait3A_348] : memref<2x512x64xf32, #tpu.memory_space<vmem>> -> memref<1x512x64xf32, #tpu.memory_space<vmem>>
      %dma_wait3A_350 = tpu.memref_squeeze %dma_wait3A_349 : memref<1x512x64xf32, #tpu.memory_space<vmem>> -> memref<512x64xf32, #tpu.memory_space<vmem>>
      %dma_wait3A_351 = arith.constant 256 : i32
      %dma_wait3A_352 = arith.constant 0 : i32
      %dma_wait3A_353 = tpu.memref_slice %dma_wait3A_350[%dma_wait3A_351, %dma_wait3A_352] : memref<512x64xf32, #tpu.memory_space<vmem>> -> memref<128x64xf32, #tpu.memory_space<vmem>>
      %dma_wait3A_354 = arith.constant 0 : i32
      %dma_wait3A_355 = tpu.memref_slice %arg5[%dma_wait3A_345, %dma_wait3A_354] : memref<2x512xi32, #tpu.memory_space<vmem>> -> memref<1x512xi32, #tpu.memory_space<vmem>>
      %dma_wait3A_356 = tpu.memref_squeeze %dma_wait3A_355 : memref<1x512xi32, #tpu.memory_space<vmem>> -> memref<512xi32, #tpu.memory_space<vmem>>
      %dma_wait3A_357 = arith.constant 256 : i32
      %dma_wait3A_358 = tpu.memref_slice %dma_wait3A_356[%dma_wait3A_357] : memref<512xi32, #tpu.memory_space<vmem>> -> memref<128xi32, #tpu.memory_space<vmem>>
      %dma_wait3A_359 = arith.constant 0 : i32
      %dma_wait3A_360 = arith.constant 0 : i32
      %dma_wait3A_361 = tpu.memref_slice %arg3[%dma_wait3A_359, %dma_wait3A_360] : memref<1000000x64xf32, #tpu.memory_space<hbm>> -> memref<1000000x64xf32, #tpu.memory_space<hbm>>
      tpu.wait_indirect_dma semaphore(%arg8 : memref<!tpu.dma_semaphore, #tpu.memory_space<semaphore_mem>>) src(%dma_wait3A_361 : memref<1000000x64xf32, #tpu.memory_space<hbm>>) dst(%dma_wait3A_353 : memref<128x64xf32, #tpu.memory_space<vmem>>)
      %dma_wait3A_362 = arith.constant 1 : i32
      %dma_wait3A_363 = arith.constant 1 : i32
      %dma_wait3A_364 = arith.constant 0 : i32
      %dma_wait3A_365 = arith.constant 0 : i32
      %dma_wait3A_366 = tpu.memref_slice %arg6[%dma_wait3A_363, %dma_wait3A_364, %dma_wait3A_365] : memref<2x512x64xf32, #tpu.memory_space<vmem>> -> memref<1x512x64xf32, #tpu.memory_space<vmem>>
      %dma_wait3A_367 = tpu.memref_squeeze %dma_wait3A_366 : memref<1x512x64xf32, #tpu.memory_space<vmem>> -> memref<512x64xf32, #tpu.memory_space<vmem>>
      %dma_wait3A_368 = arith.constant 384 : i32
      %dma_wait3A_369 = arith.constant 0 : i32
      %dma_wait3A_370 = tpu.memref_slice %dma_wait3A_367[%dma_wait3A_368, %dma_wait3A_369] : memref<512x64xf32, #tpu.memory_space<vmem>> -> memref<128x64xf32, #tpu.memory_space<vmem>>
      %dma_wait3A_371 = arith.constant 0 : i32
      %dma_wait3A_372 = tpu.memref_slice %arg5[%dma_wait3A_362, %dma_wait3A_371] : memref<2x512xi32, #tpu.memory_space<vmem>> -> memref<1x512xi32, #tpu.memory_space<vmem>>
      %dma_wait3A_373 = tpu.memref_squeeze %dma_wait3A_372 : memref<1x512xi32, #tpu.memory_space<vmem>> -> memref<512xi32, #tpu.memory_space<vmem>>
      %dma_wait3A_374 = arith.constant 384 : i32
      %dma_wait3A_375 = tpu.memref_slice %dma_wait3A_373[%dma_wait3A_374] : memref<512xi32, #tpu.memory_space<vmem>> -> memref<128xi32, #tpu.memory_space<vmem>>
      %dma_wait3A_376 = arith.constant 0 : i32
      %dma_wait3A_377 = arith.constant 0 : i32
      %dma_wait3A_378 = tpu.memref_slice %arg3[%dma_wait3A_376, %dma_wait3A_377] : memref<1000000x64xf32, #tpu.memory_space<hbm>> -> memref<1000000x64xf32, #tpu.memory_space<hbm>>
      tpu.wait_indirect_dma semaphore(%arg8 : memref<!tpu.dma_semaphore, #tpu.memory_space<semaphore_mem>>) src(%dma_wait3A_378 : memref<1000000x64xf32, #tpu.memory_space<hbm>>) dst(%dma_wait3A_370 : memref<128x64xf32, #tpu.memory_space<vmem>>)
      %dma_start3A_379 = arith.constant 1 : i32
      %dma_start3A_380 = arith.constant 0 : i32
      %dma_start3A_381 = arith.constant 0 : i32
      %dma_start3A_382 = tpu.memref_slice %arg6[%dma_start3A_379, %dma_start3A_380, %dma_start3A_381] : memref<2x512x64xf32, #tpu.memory_space<vmem>> -> memref<1x512x64xf32, #tpu.memory_space<vmem>>
      %dma_start3A_383 = tpu.memref_squeeze %dma_start3A_382 : memref<1x512x64xf32, #tpu.memory_space<vmem>> -> memref<512x64xf32, #tpu.memory_space<vmem>>
      %dma_start3A_384 = arith.constant 0 : i32
      %dma_start3A_385 = tpu.memref_slice %arg4[%add3A_221, %dma_start3A_384] : memref<425984x64xf32, #tpu.memory_space<hbm>> -> memref<512x64xf32, #tpu.memory_space<hbm>>
      %dma_start3A_386 = arith.constant 0 : i32
      %dma_start3A_387 = tpu.memref_slice %arg4[%add3A_221, %dma_start3A_386] : memref<425984x64xf32, #tpu.memory_space<hbm>> -> memref<512x64xf32, #tpu.memory_space<hbm>>
      %dma_start3A_388 = arith.constant 0 : i32
      %dma_start3A_389 = arith.constant 0 : i32
      %dma_start3A_390 = tpu.memref_slice %arg6[%dma_start3A_379, %dma_start3A_388, %dma_start3A_389] : memref<2x512x64xf32, #tpu.memory_space<vmem>> -> memref<1x512x64xf32, #tpu.memory_space<vmem>>
      %dma_start3A_391 = tpu.memref_squeeze %dma_start3A_390 : memref<1x512x64xf32, #tpu.memory_space<vmem>> -> memref<512x64xf32, #tpu.memory_space<vmem>>
      tpu.enqueue_dma source(%dma_start3A_391 : memref<512x64xf32, #tpu.memory_space<vmem>>) target(%dma_start3A_387 : memref<512x64xf32, #tpu.memory_space<hbm>>) target_semaphore(%arg10 : memref<!tpu.dma_semaphore, #tpu.memory_space<semaphore_mem>>)
    }
    %scan3A_15 = arith.constant 13 : i32
    %dma_wait3A = arith.constant 0 : i32
    %dma_wait3A_16 = arith.constant 0 : i32
    %dma_wait3A_17 = arith.constant 0 : i32
    %dma_wait3A_18 = tpu.memref_slice %arg6[%dma_wait3A, %dma_wait3A_16, %dma_wait3A_17] : memref<2x512x64xf32, #tpu.memory_space<vmem>> -> memref<1x512x64xf32, #tpu.memory_space<vmem>>
    %dma_wait3A_19 = tpu.memref_squeeze %dma_wait3A_18 : memref<1x512x64xf32, #tpu.memory_space<vmem>> -> memref<512x64xf32, #tpu.memory_space<vmem>>
    %dma_wait3A_20 = arith.constant 0 : i32
    %dma_wait3A_21 = tpu.memref_slice %arg4[%mul3A_2, %dma_wait3A_20] : memref<425984x64xf32, #tpu.memory_space<hbm>> -> memref<512x64xf32, #tpu.memory_space<hbm>>
    %dma_wait3A_22 = arith.constant 0 : i32
    %dma_wait3A_23 = tpu.memref_slice %arg4[%mul3A_2, %dma_wait3A_22] : memref<425984x64xf32, #tpu.memory_space<hbm>> -> memref<512x64xf32, #tpu.memory_space<hbm>>
    %dma_wait3A_24 = arith.constant 0 : i32
    %dma_wait3A_25 = arith.constant 0 : i32
    %dma_wait3A_26 = tpu.memref_slice %arg6[%dma_wait3A, %dma_wait3A_24, %dma_wait3A_25] : memref<2x512x64xf32, #tpu.memory_space<vmem>> -> memref<1x512x64xf32, #tpu.memory_space<vmem>>
    %dma_wait3A_27 = tpu.memref_squeeze %dma_wait3A_26 : memref<1x512x64xf32, #tpu.memory_space<vmem>> -> memref<512x64xf32, #tpu.memory_space<vmem>>
    tpu.wait_dma2 semaphore(%arg9 : memref<!tpu.dma_semaphore, #tpu.memory_space<semaphore_mem>>) src(%dma_wait3A_27 : memref<512x64xf32, #tpu.memory_space<vmem>>) dst(%dma_wait3A_23 : memref<512x64xf32, #tpu.memory_space<hbm>>)
    %dma_wait3A_28 = arith.constant 1 : i32
    %dma_wait3A_29 = arith.constant 0 : i32
    %dma_wait3A_30 = arith.constant 0 : i32
    %dma_wait3A_31 = tpu.memref_slice %arg6[%dma_wait3A_28, %dma_wait3A_29, %dma_wait3A_30] : memref<2x512x64xf32, #tpu.memory_space<vmem>> -> memref<1x512x64xf32, #tpu.memory_space<vmem>>
    %dma_wait3A_32 = tpu.memref_squeeze %dma_wait3A_31 : memref<1x512x64xf32, #tpu.memory_space<vmem>> -> memref<512x64xf32, #tpu.memory_space<vmem>>
    %dma_wait3A_33 = arith.constant 0 : i32
    %dma_wait3A_34 = tpu.memref_slice %arg4[%mul3A_2, %dma_wait3A_33] : memref<425984x64xf32, #tpu.memory_space<hbm>> -> memref<512x64xf32, #tpu.memory_space<hbm>>
    %dma_wait3A_35 = arith.constant 0 : i32
    %dma_wait3A_36 = tpu.memref_slice %arg4[%mul3A_2, %dma_wait3A_35] : memref<425984x64xf32, #tpu.memory_space<hbm>> -> memref<512x64xf32, #tpu.memory_space<hbm>>
    %dma_wait3A_37 = arith.constant 0 : i32
    %dma_wait3A_38 = arith.constant 0 : i32
    %dma_wait3A_39 = tpu.memref_slice %arg6[%dma_wait3A_28, %dma_wait3A_37, %dma_wait3A_38] : memref<2x512x64xf32, #tpu.memory_space<vmem>> -> memref<1x512x64xf32, #tpu.memory_space<vmem>>
    %dma_wait3A_40 = tpu.memref_squeeze %dma_wait3A_39 : memref<1x512x64xf32, #tpu.memory_space<vmem>> -> memref<512x64xf32, #tpu.memory_space<vmem>>
    tpu.wait_dma2 semaphore(%arg10 : memref<!tpu.dma_semaphore, #tpu.memory_space<semaphore_mem>>) src(%dma_wait3A_40 : memref<512x64xf32, #tpu.memory_space<vmem>>) dst(%dma_wait3A_36 : memref<512x64xf32, #tpu.memory_space<hbm>>)
    return
  }
}

</mosaic_0001>

<sc_bundles>
// kernel: _emb_lookup.3.cloned.1.call-start
scs
__scs_entry_jumppad:
0x0: {  	(pc) =	sbr.rel $0x88, $3  }
0x1: {  	(tag) =	ssettag $0x0;
	lr =	simm.s32 $0x1  }
0x2: {  	[smem:$0x3F9F] =	sst lr;
	_ =	strace $0xD0000000  }
0x3: {  	_ = 	snop  }
0x4: {  	_ = 	snop  }
0x5: {  	_ = 	snop  }
0x6: {  	_ = 	snop  }
0x7: {  	_ = 	snop  }
__scs_overlays_trampoline_lowered:
0x8: {  	[smem:$0x3FAE] =	sst s0  }
0x9: {  	[smem:$0x3FAF] =	sst s1  }
0xa: {  	[smem:$0x3FB0] =	sst s2  }
0xb: {  	[smem:$0x3FB1] =	sst s3  }
0xc: {  	[smem:$0x3FB2] =	sst s4  }
0xd: {  	[smem:$0x3FB3] =	sst s5  }
0xe: {  	[smem:$0x3FB4] =	sst s6  }
0xf: {  	[smem:$0x3FB5] =	sst s7  }
0x10: {  	[smem:$0x3FB6] =	sst s8  }
0x11: {  	[smem:$0x3FB7] =	sst s9;
	s0 =	simm.s32 @!p0 $0x0  }
0x12: {  	s1 =	sld [smem:$0x3F9D];
	s0 =	simm.s32 @p0 $0x1  }
0x13: {  	[smem:$0x3FB8] =	sst s0;
	s0 =	simm.s32 @!p1 $0x0  }
0x14: {  	s2 =	sld [smem:$0x3F9C];
	s0 =	simm.s32 @p1 $0x1  }
0x15: {  	[smem:$0x3FB9] =	sst s0;
	s0 =	simm.s32 @!p2 $0x0  }
0x16: {  	s3 =	sld [smem:$0x3FDB];
	s0 =	simm.s32 @p2 $0x1  }
0x17: {  	s4 =	simm.s32 $0x1BF5;
	[smem:$0x3FBB] =	sst s0  }
0x18: {  	s0 =	sld [smem:$0x3F9E];
	_ =	swait.ge [sflag:s4], $0x0  }
0x19: {  	s7 =	sld [smem:$0x3F9F]  }
0x1a: {  	s8 =	sadd.s32 $0xFFFFE003, lr  }
0x1b: {  	s9 =	sadd.s32 $0xFFFFFEF7, lr;
	s5 =	simm.s32 $0xFFFFFFFF;
	p2 =	slt.u32 s8, $0xFFFFF086  }
0x1c: {  	p1 =	slt.u32 s9, $0xF7A;
	s5 =	simm.s32 @!p2 $0x0  }
0x1d: {  	s5 =	simm.s32 @p1 $0x1;
	p0 =	seq.s32 s7, s2  }
0x1e: {  	s7 =	smul.u32 @!p0 $0xF7A, s2;
	p2 =	seq.s32 @!p0 s5, $0x0  }
0x1f: {  	s9 =	smul.u32 $0xF7A, s1;
	s8 =	simm.s32 @!p0 $0x1BF5;
	p2 =	por !p2, p0  }
0x20: {  	[sflag:s8] =	ssyncset.s32 @!p0 $0xFFFFF086;
	s6 =	sadd.s32 @!p0 s3, s7;
	s7 =	simm.s32 @!p0 $0x108  }
0x21: {  	s3 =	sadd.s32 s3, s9;
	s6 =	sadd.s32 @!p0 $0x88, s6;
	s7 =	simm.s32 @p2 $0x1082  }
0x22: {  	[simem:s7], [sflag:s8] =	dma.local @!p0 [hbm:s6], $0xF7A  }
0x23: {  	s9 =	sor.u32 $0xD0000000, s2;
	s6 =	simm.s32 $0x108;
	_ =	swait.ge @!p0 [sflag:s8], $0x0  }
0x24: {  	s3 =	sadd.s32 $0x88, s3;
	s6 =	simm.s32 @!p1 $0x1082;
	[sflag:s4] =	ssyncset.s32 $0xFFFFF086  }
0x25: {  	[simem:s6], [sflag:s4] =	dma.local [hbm:s3], $0xF7A  }
0x26: {  	[smem:$0x3F9F] =	sst s1;
	(tag) =	ssettag s2;
	_ =	strace s9  }
0x27: {  	s1 =	sld [smem:$0x3FAF]  }
0x28: {  	s2 =	sld [smem:$0x3FB0]  }
0x29: {  	s4 =	sld [smem:$0x3FB2]  }
0x2a: {  	p0 =	seq.s32 s5, $0x0;
	s5 =	sld [smem:$0x3FB3]  }
0x2b: {  	s6 =	sld [smem:$0x3FB4]  }
0x2c: {  	s7 =	sld [smem:$0x3FB5]  }
0x2d: {  	s3 =	simm.s32 $0x108;
	s8 =	sld [smem:$0x3FB6]  }
0x2e: {  	s3 =	simm.s32 @!p0 $0x1082;
	s9 =	sld [smem:$0x3FB7]  }
0x2f: {  	lr =	sadd.s32 s0, s3;
	s0 =	sld [smem:$0x3FAE]  }
0x30: {  	s3 =	sld [smem:$0x3FB1]  }
0x31: {  	[smem:$0x3FBA] =	sst s10  }
0x32: {  	s10 =	sld [smem:$0x3FB8];
	_ =	sdelay $0x3  }
0x33: {  	p0 =	seq.s32 s10, $0x1;
	s10 =	sld [smem:$0x3FBA];
	_ =	sdelay $0x3  }
0x34: {  	[smem:$0x3FBA] =	sst s10  }
0x35: {  	s10 =	sld [smem:$0x3FB9];
	_ =	sdelay $0x3  }
0x36: {  	p1 =	seq.s32 s10, $0x1;
	s10 =	sld [smem:$0x3FBA];
	_ =	sdelay $0x3  }
0x37: {  	[smem:$0x3FBA] =	sst s10  }
0x38: {  	s10 =	sld [smem:$0x3FBB]  }
0x39: {  	_ = 	snop;
	(pc) =	sbr.ind lr, $3  }
0x3a: {  	_ = 	snop  }
0x3b: {  	_ = 	snop  }
0x3c: {  	p2 =	seq.s32 s10, $0x1;
	s10 =	sld [smem:$0x3FBA]  }
0x3d: {  	_ =	shalt  }
0x3e: {  	_ =	shalt  }
0x3f: {  	_ =	shalt  }
0x40: {  	_ =	shalt  }
0x41: {  	_ =	shalt  }
0x42: {  	_ =	shalt  }
0x43: {  	_ =	shalt  }
0x44: {  	_ =	shalt  }
0x45: {  	_ =	shalt  }
0x46: {  	_ =	shalt  }
0x47: {  	_ =	shalt  }
0x48: {  	_ =	shalt  }
0x49: {  	_ =	shalt  }
0x4a: {  	_ =	shalt  }
0x4b: {  	_ =	shalt  }
0x4c: {  	_ =	shalt  }
0x4d: {  	_ =	shalt  }
0x4e: {  	_ =	shalt  }
0x4f: {  	_ =	shalt  }
0x50: {  	_ =	shalt  }
0x51: {  	_ =	shalt  }
0x52: {  	_ =	shalt  }
0x53: {  	_ =	shalt  }
0x54: {  	_ =	shalt  }
0x55: {  	_ =	shalt  }
0x56: {  	_ =	shalt  }
0x57: {  	_ =	shalt  }
0x58: {  	_ =	shalt  }
0x59: {  	_ =	shalt  }
0x5a: {  	_ =	shalt  }
0x5b: {  	_ =	shalt  }
0x5c: {  	_ =	shalt  }
0x5d: {  	_ =	shalt  }
0x5e: {  	_ =	shalt  }
0x5f: {  	_ =	shalt  }
0x60: {  	_ =	shalt  }
0x61: {  	_ =	shalt  }
0x62: {  	_ =	shalt  }
0x63: {  	_ =	shalt  }
0x64: {  	_ =	shalt  }
0x65: {  	_ =	shalt  }
0x66: {  	_ =	shalt  }
0x67: {  	_ =	shalt  }
0x68: {  	_ =	shalt  }
0x69: {  	_ =	shalt  }
0x6a: {  	_ =	shalt  }
0x6b: {  	_ =	shalt  }
0x6c: {  	_ =	shalt  }
0x6d: {  	_ =	shalt  }
0x6e: {  	_ =	shalt  }
0x6f: {  	_ =	shalt  }
0x70: {  	_ =	shalt  }
0x71: {  	_ =	shalt  }
0x72: {  	_ =	shalt  }
0x73: {  	_ =	shalt  }
0x74: {  	_ =	shalt  }
0x75: {  	_ =	shalt  }
0x76: {  	_ =	shalt  }
0x77: {  	_ =	shalt  }
0x78: {  	_ =	shalt  }
0x79: {  	_ =	shalt  }
0x7a: {  	_ =	shalt  }
0x7b: {  	_ =	shalt  }
0x7c: {  	_ =	shalt  }
0x7d: {  	_ =	shalt  }
0x7e: {  	_ =	shalt  }
0x7f: {  	_ =	shalt  }
0x80: {  	_ =	shalt  }
0x81: {  	_ =	shalt  }
0x82: {  	_ =	shalt  }
0x83: {  	_ =	shalt  }
0x84: {  	_ =	shalt  }
0x85: {  	_ =	shalt  }
0x86: {  	_ =	shalt  }
0x87: {  	_ =	shalt  }
.Lfunc_end0:
.L_simem_size_0:
called_computation.1_lowered:
.L_overlay_start_0:
0x88: {  	s2 =	sld [smem:$0x3FD9]  }
0x89: {  	s3 =	sld [smem:$0x3FFE];
	_ =	sdelay $0x1  }
0x8a: {  	s1 =	srdreg.scid  }
0x8b: {  	s0 =	sand.u32 $0x1, s1  }
0x8c: {  	s17 =	sshll.u32 s0, $0xA;
	s2 =	sadd.s32 s3, s2  }
0x8d: {  	s2 =	sadd.s32 s2, s17  }
0x8e: {  	[smem:$0x3FC6] =	sst s2  }
0x8f: {  	_ = 	snop  }
0x90: {  	s2 =	sld [smem:$0x3FC9]  }
0x91: {  	s18 =	sld [smem:$0x3FD0];
	(tm) =	ssettm $0x1  }
0x92: {  	s4 =	sld [smem:$0x3FFB];
	_ =	sdelay $0x3  }
0x93: {  	_ =	strace s4  }
0x94: {  	s4 =	sld [smem:$0x3FFC];
	_ =	sdelay $0x3  }
0x95: {  	_ =	strace s4  }
0x96: {  	s4 =	sld [smem:$0x3FFD];
	_ =	sdelay $0x3  }
0x97: {  	_ =	strace s4  }
0x98: {  	_ =	strace $0x8FFFFFFF  }
0x99: {  	s19 =	sld [smem:$0x3FDB];
	_ =	sdelay $0x1  }
0x9a: {  	s5 =	simm.s32 $_scs_section_size  }
0x9b: {  	s6 =	simm.s32 $_size__tile_overlayer_lowered;
	s7 =	simm.s32 $_tile_overlayer_lowered  }
0x9c: {  	s22 =	simm.s32 $0x1BFF;
	s21 =	sshll.u32 s7, $0x1;
	s4 =	sadd.s32 s5, s19  }
0x9d: {  	s8 =	simm.s32 $0x0;
	s20 =	sshll.u32 s6, $0x1;
	s6 =	sadd.s32 s21, s4  }
0x9e: {  	[timem:s8], [sflag:s22] =	dma.local [hbm:s6], s20  }
0x9f: {  	_ =	swait.ge [sflag:s22], s20  }
0xa0: {  	s5 =	ssub.s32 $0x0, s20;
	[sflag:s22] =	ssyncset.done $0x0  }
0xa1: {  	[sflag:s22] =	ssyncadd.s32 s5;
	_ =	sdelay $0x1  }
0xa2: {  	s23 =	simm.s32 $0x1B8B  }
0xa3: {  	_ =	swait.ge [sflag:s23], $0x1  }
0xa4: {  	[sflag:s23] =	ssyncset.done $0x0  }
0xa5: {  	s25 =	simm.s32 $0x1B8E;
	s24 =	sld [smem:$0x3FFE];
	[sflag:s23] =	ssyncadd.s32 $0xFFFFFFFF  }
0xa6: {  	s26 =	simm.s32 $execute0_lowered;
	[smem:$0x3FD2] =	sst s25  }
0xa7: {  	s6 =	sshll.u32 s26, $0x1;
	_ =	strace $0x80000046;
	[dreg:$0x1] =	wrdreg $0xFFFFFFFF  }
0xa8: {  	s28 =	simm.s32 $_size_execute0_lowered;
	s4 =	sadd.s32 s4, s6;
	[dreg:$0x0] =	wrdreg $0x0  }
0xa9: {  	s6 =	sshll.u32 s28, $0x1;
	[dreg:$0x2] =	wrdreg s4  }
0xaa: {  	[dreg:$0x3] =	wrdreg s6  }
0xab: {  	[dreg:$0x4] =	wrdreg $0xC0  }
0xac: {  	_ =	task [dreg:s8], $0x5FFFF  }
0xad: {  	[dreg:$0x1] =	wrdreg $0xFFFFFFFF  }
0xae: {  	[dreg:$0x0] =	wrdreg $0x60  }
0xaf: {  	[dreg:$0x2] =	wrdreg s2  }
0xb0: {  	[dreg:$0x3] =	wrdreg s24  }
0xb1: {  	[dreg:$0x4] =	wrdreg s18  }
0xb2: {  	[dreg:$0x5] =	wrdreg $0x9  }
0xb3: {  	_ =	task.clear_ibuf [dreg:s8], $0x6FFFF;
	_ =	strace $0x90000046  }
0xb4: {  	s29 =	simm.s32 $0x9;
	_ =	strace $0x80000048  }
0xb5: {  	_ =	swait.ge [sflag:s29], $0x1  }
0xb6: {  	[sflag:s29] =	ssyncadd.s32 $0xFFFFFFFF  }
0xb7: {  	_ =	strace $0x90000048  }
0xb8: {  	_ =	sfence  }
0xb9: {  	s30 =	sld [smem:$0x0];
	_ =	sdelay $0x2  }
0xba: {  	s31 =	sshll.u32 s1, $0xD;
	s1 =	sshrl.u32 s1, $0x2  }
0xbb: {  	s3 =	sand.u32 $0x4000, s31;
	s1 =	sadd.s32 s1, s30  }
0xbc: {  	s0 =	sor.u32 s3, s0;
	s1 =	sshll.u32 s1, $0x11  }
0xbd: {  	s0 =	sor.u32 s1, s0  }
0xbe: {  	s0 =	sadd.s32 $0x8F2B, s0  }
0xbf: {  	[sflag:s0] =	ssyncadd.remote.s32 $0x1  }
0xc0: {  	_ =	sfence.sel $0xFFFF  }
0xc1: {  	[dreg:$0x0] =	wrdreg $0xFFFFFFFF;
	(pc) =	sbr.abs _section_cstart, $3  }
0xc2: {  	[dreg:$0x1] =	wrdreg $0xFFFFFFFF  }
0xc3: {  	_ =	task.clear_ibuf [dreg:s8], $0x2FFFF;
	_ =	strace $0x9FFFFFFF  }
0xc4: {  	(tm) =	ssettm $0x7FFFFFFF  }
0xc5: {  	_ =	shalt  }
tec
execute0_lowered:
.L_overlay_start_1:
0x0: {  	(tag) =	ssettag $0x1  }
0x1: {  	s1 =	rddreg [dreg:$0x0]  }
0x2: {  	s0 =	rddreg [dreg:$0x1]  }
0x3: {  	s2 =	rddreg [dreg:$0x2];
	s3 =	simm.s32 $0x0;
	s4 =	srdreg.scid  }
0x4: {  	s11 =	stileid.u32;
	s29 =	simm.s32 $0x2400;
	s30 =	simm.s32 $0x100  }
0x5: {  	s31 =	simm.s32 $0x4400;
	s12 =	simm.s32 $0x180;
	s13 =	simm.s32 $0x6400  }
0x6: {  	s14 =	simm.s32 $0x200;
	s15 =	simm.s32 $0x1;
	s16 =	simm.s32 $0x6  }
0x7: {  	s17 =	simm.s32 $0x8400;
	s18 =	simm.s32 $0x280;
	s28 =	simm.s32 $0x0  }
0x8: {  	s7 =	sand.u32 $0x1, s4;
	s19 =	sshll.u32 s11, $0x1;
	s5 =	smul.u32 $0x6800, s11  }
0x9: {  	[smem:$0x7FF] =	sst s3;
	s23 =	smul.u32 $0x34000, s11;
	s11 =	simm.s32 $0x400  }
0xa: {  	s4 =	sor.u32 s7, s19;
	_ =	strace $0x80000047;
	[dreg:$0x6] =	wrdreg s29  }
0xb: {  	s6 =	smul.u32 $0x3400, s7;
	s8 =	ssub.s32 $0x2, s7;
	[dreg:$0x7] =	wrdreg s30  }
0xc: {  	s7 =	smul.u32 $0x1A000, s7;
	[dreg:$0x8] =	wrdreg s31;
	s19 =	simm.s32 $0xA400  }
0xd: {  	s9 =	smul.u32 $0x3400, s4;
	s4 =	sadd.s32 $0xF42C00, s0;
	s20 =	sshrl.u32 s8, $0x1  }
0xe: {  	s10 =	sadd.s32 s6, s5;
	s0 =	ssub.s32 s8, s20;
	s20 =	simm.s32 $0x300  }
0xf: {  	s21 =	sshrl.u32 s9, $0x3;
	s6 =	sshll.u32 s10, $0x3;
	s0 =	smax.u32 s0, $0x1  }
0x10: {  	s25 =	sshrl.u32 s10, $0x3;
	s9 =	simm.s32 $0x5;
	s5 =	sadd.s32 s1, s21  }
0x11: {  	s22 =	sadd.s32 s6, s2;
	[dreg:$0xa] =	wrdreg s0;
	s2 =	sadd.s32 s23, s2  }
0x12: {  	s0 =	sadd.s32 $0x400, s10;
	s26 =	sadd.s32 s25, s1;
	s10 =	simm.s32 $0x80  }
0x13: {  	s21 =	simm.s32 $0xC400;
	s23 =	simm.s32 $0xE400;
	s25 =	simm.s32 $0x3  }
0x14: {  	[dreg:$0x9] =	wrdreg s5;
	s24 =	sadd.s32 $0x1000, s22;
	s2 =	sadd.s32 s7, s2  }
0x15: {  	s8 =	sadd.s32 $0x40, s26;
	s22 =	simm.s32 $0x380;
	[dreg:$0x4] =	wrdreg s24  }
0x16: {  	s26 =	simm.s32 $0x4;
	[dreg:$0x5] =	wrdreg s2;
	s24 =	simm.s32 $0x2  }
.LBB2_1:
0x17: {  	s2 =	rddreg [dreg:$0x9]  }
0x18: {  	[tilespmem:s3], [sflag:$0x5] =	stream.linear.gather [hbm4b:s2+s3], $0x200, $0x38;
	[tilespmem:$0x10400] =	vst v63  }
0x19: {  	_ =	swait.ge [sflag:s9], $0x200  }
0x1a: {  	p0 =	por $0x1, $0x1;
	[sflag:s9] =	ssyncset.done $0x0  }
0x1b: {  	s2 =	simm.s32 @!p0 $0x3;
	[sflag:s9] =	ssyncadd.s32 $0xFFFFFE00  }
0x1c: {  	_ =	swait.ge @!p0 [sflag:s2], $0x8000  }
0x1d: {  	[sflag:s2] =	ssyncset.done @!p0 $0x0  }
0x1e: {  	s7 =	rddreg [dreg:$0x8];
	[sflag:s2] =	ssyncadd.s32 @!p0 $0xFFFF8000  }
0x1f: {  	[tilespmem:s11], [sflag:$0x1] =	stream.indirect.gather [hbm4b:s4+s10], $0x40, s3, s10, $0xb8;
	[tilespmem:$0x10400] =	vst v63  }
0x20: {  	s6 =	rddreg [dreg:$0x6]  }
0x21: {  	[tilespmem:s6], [sflag:$0x1] =	stream.indirect.gather [hbm4b:s4+s10], $0x40, s10, s10, $0xb8;
	[tilespmem:$0x10400] =	vst v63  }
0x22: {  	s29 =	rddreg [dreg:$0x7]  }
0x23: {  	[tilespmem:s7], [sflag:$0x1] =	stream.indirect.gather [hbm4b:s4+s10], $0x40, s29, s10, $0xb8;
	[tilespmem:$0x10400] =	vst v63  }
0x24: {  	_ = 	snop  }
0x25: {  	[tilespmem:s13], [sflag:$0x1] =	stream.indirect.gather [hbm4b:s4+s10], $0x40, s12, s10, $0xb8;
	[tilespmem:$0x10400] =	vst v63  }
0x26: {  	_ = 	snop  }
0x27: {  	[tilespmem:s14], [sflag:$0x6] =	stream.linear.gather [hbm4b:s8+s3], $0x200, $0x38;
	[tilespmem:$0x10400] =	vst v63  }
0x28: {  	_ =	swait.ge [sflag:s15], $0x2000  }
0x29: {  	[sflag:s15] =	ssyncset.done $0x0  }
0x2a: {  	[sflag:s15] =	ssyncadd.s32 $0xFFFFE000  }
0x2b: {  	_ =	swait.ge [sflag:s15], $0x2000  }
0x2c: {  	[sflag:s15] =	ssyncset.done $0x0  }
0x2d: {  	[sflag:s15] =	ssyncadd.s32 $0xFFFFE000  }
0x2e: {  	_ =	swait.ge [sflag:s15], $0x2000  }
0x2f: {  	[sflag:s15] =	ssyncset.done $0x0  }
0x30: {  	[sflag:s15] =	ssyncadd.s32 $0xFFFFE000  }
0x31: {  	_ =	swait.ge [sflag:s15], $0x2000  }
0x32: {  	s7 =	rddreg [dreg:$0x5];
	[sflag:s15] =	ssyncset.done $0x0  }
0x33: {  	[sflag:s15] =	ssyncadd.s32 $0xFFFFE000;
	s2 =	sadd.s32 $0x0, s7  }
0x34: {  	[hbm4b:s2+s3] =	stream.linear.scatter [tilespmem:s11], [sflag:$0x3], $0x8000, $0x38;
	[tilespmem:$0x10400] =	vst v63  }
0x35: {  	_ =	swait.ge [sflag:s16], $0x200  }
0x36: {  	[sflag:s16] =	ssyncset.done $0x0  }
0x37: {  	s2 =	simm.s32 @!p0 $0x4;
	[sflag:s16] =	ssyncadd.s32 $0xFFFFFE00  }
0x38: {  	_ =	swait.ge @!p0 [sflag:s2], $0x8000  }
0x39: {  	[sflag:s2] =	ssyncset.done @!p0 $0x0  }
0x3a: {  	[sflag:s2] =	ssyncadd.s32 @!p0 $0xFFFF8000  }
0x3b: {  	[tilespmem:s17], [sflag:$0x2] =	stream.indirect.gather [hbm4b:s4+s10], $0x40, s14, s10, $0xb8;
	[tilespmem:$0x10400] =	vst v63  }
0x3c: {  	_ = 	snop  }
0x3d: {  	[tilespmem:s19], [sflag:$0x2] =	stream.indirect.gather [hbm4b:s4+s10], $0x40, s18, s10, $0xb8;
	[tilespmem:$0x10400] =	vst v63  }
0x3e: {  	p0 =	por $0x0, $0x0  }
0x3f: {  	[tilespmem:s21], [sflag:$0x2] =	stream.indirect.gather [hbm4b:s4+s10], $0x40, s20, s10, $0xb8;
	[tilespmem:$0x10400] =	vst v63  }
0x40: {  	s2 =	sshrl.u32 @!p0 s0, $0x3  }
0x41: {  	[tilespmem:s23], [sflag:$0x2] =	stream.indirect.gather [hbm4b:s4+s10], $0x40, s22, s10, $0xb8;
	[tilespmem:$0x10400] =	vst v63  }
0x42: {  	s7 =	simm.s32 @!p0 $0x0;
	s2 =	sadd.s32 @!p0 s1, s2  }
0x43: {  	[tilespmem:s7], [sflag:$0x5] =	stream.linear.gather @!p0 [hbm4b:s2+s7], $0x200, $0x38;
	[tilespmem:$0x10400] =	vst v63  }
0x44: {  	_ =	swait.ge [sflag:s24], $0x2000  }
0x45: {  	[sflag:s24] =	ssyncset.done $0x0  }
0x46: {  	[sflag:s24] =	ssyncadd.s32 $0xFFFFE000  }
0x47: {  	_ =	swait.ge [sflag:s24], $0x2000  }
0x48: {  	[sflag:s24] =	ssyncset.done $0x0  }
0x49: {  	[sflag:s24] =	ssyncadd.s32 $0xFFFFE000  }
0x4a: {  	_ =	swait.ge [sflag:s24], $0x2000  }
0x4b: {  	[sflag:s24] =	ssyncset.done $0x0  }
0x4c: {  	[sflag:s24] =	ssyncadd.s32 $0xFFFFE000  }
0x4d: {  	s30 =	sadd.s32 $0x80, s8;
	_ =	swait.ge [sflag:s24], $0x2000  }
0x4e: {  	s31 =	simm.s32 $0x0;
	s29 =	simm.s32 $0x2000;
	[sflag:s24] =	ssyncset.done $0x0  }
0x4f: {  	s7 =	smov.u32 s0;
	s2 =	rddreg [dreg:$0x4];
	[sflag:s24] =	ssyncadd.s32 $0xFFFFE000  }
.LBB2_2:
0x50: {  	s2 =	sadd.s32 s31, s2  }
0x51: {  	[hbm4b:s2+s3] =	stream.linear.scatter [tilespmem:s17], [sflag:$0x4], $0x8000, $0x38;
	[tilespmem:$0x10400] =	vst v63  }
0x52: {  	s31 =	smov.u32 s29;
	_ =	swait.ge [sflag:s9], $0x200  }
0x53: {  	p1 =	seq.s32 s31, $0x0;
	[sflag:s9] =	ssyncset.done $0x0  }
0x54: {  	s2 =	simm.s32 @!p1 $0x3;
	[sflag:s9] =	ssyncadd.s32 $0xFFFFFE00  }
0x55: {  	_ =	swait.ge @!p1 [sflag:s2], $0x8000  }
0x56: {  	[sflag:s2] =	ssyncset.done @!p1 $0x0  }
0x57: {  	s5 =	rddreg [dreg:$0x8];
	[sflag:s2] =	ssyncadd.s32 @!p1 $0xFFFF8000  }
0x58: {  	[tilespmem:s11], [sflag:$0x1] =	stream.indirect.gather [hbm4b:s4+s10], $0x40, s3, s10, $0xb8;
	[tilespmem:$0x10400] =	vst v63  }
0x59: {  	s2 =	rddreg [dreg:$0x6]  }
0x5a: {  	[tilespmem:s2], [sflag:$0x1] =	stream.indirect.gather [hbm4b:s4+s10], $0x40, s10, s10, $0xb8;
	[tilespmem:$0x10400] =	vst v63  }
0x5b: {  	s6 =	rddreg [dreg:$0x7]  }
0x5c: {  	[tilespmem:s5], [sflag:$0x1] =	stream.indirect.gather [hbm4b:s4+s10], $0x40, s6, s10, $0xb8;
	[tilespmem:$0x10400] =	vst v63  }
0x5d: {  	_ = 	snop  }
0x5e: {  	[tilespmem:s13], [sflag:$0x1] =	stream.indirect.gather [hbm4b:s4+s10], $0x40, s12, s10, $0xb8;
	[tilespmem:$0x10400] =	vst v63  }
0x5f: {  	_ = 	snop  }
0x60: {  	[tilespmem:s14], [sflag:$0x6] =	stream.linear.gather [hbm4b:s30+s3], $0x200, $0x38;
	[tilespmem:$0x10400] =	vst v63  }
0x61: {  	_ =	swait.ge [sflag:s15], $0x2000  }
0x62: {  	[sflag:s15] =	ssyncset.done $0x0  }
0x63: {  	[sflag:s15] =	ssyncadd.s32 $0xFFFFE000  }
0x64: {  	_ =	swait.ge [sflag:s15], $0x2000  }
0x65: {  	[sflag:s15] =	ssyncset.done $0x0  }
0x66: {  	[sflag:s15] =	ssyncadd.s32 $0xFFFFE000  }
0x67: {  	_ =	swait.ge [sflag:s15], $0x2000  }
0x68: {  	[sflag:s15] =	ssyncset.done $0x0  }
0x69: {  	[sflag:s15] =	ssyncadd.s32 $0xFFFFE000  }
0x6a: {  	_ =	swait.ge [sflag:s15], $0x2000  }
0x6b: {  	s6 =	rddreg [dreg:$0x5];
	[sflag:s15] =	ssyncset.done $0x0  }
0x6c: {  	[sflag:s15] =	ssyncadd.s32 $0xFFFFE000;
	s2 =	sadd.s32 s31, s6  }
0x6d: {  	[hbm4b:s2+s3] =	stream.linear.scatter [tilespmem:s11], [sflag:$0x3], $0x8000, $0x38;
	[tilespmem:$0x10400] =	vst v63  }
0x6e: {  	_ =	swait.ge [sflag:s16], $0x200  }
0x6f: {  	[sflag:s16] =	ssyncset.done $0x0  }
0x70: {  	s2 =	simm.s32 @!p1 $0x4;
	[sflag:s16] =	ssyncadd.s32 $0xFFFFFE00  }
0x71: {  	_ =	swait.ge @!p1 [sflag:s2], $0x8000  }
0x72: {  	[sflag:s2] =	ssyncset.done @!p1 $0x0  }
0x73: {  	[sflag:s2] =	ssyncadd.s32 @!p1 $0xFFFF8000  }
0x74: {  	[tilespmem:s17], [sflag:$0x2] =	stream.indirect.gather [hbm4b:s4+s10], $0x40, s14, s10, $0xb8;
	[tilespmem:$0x10400] =	vst v63  }
0x75: {  	_ = 	snop  }
0x76: {  	[tilespmem:s19], [sflag:$0x2] =	stream.indirect.gather [hbm4b:s4+s10], $0x40, s18, s10, $0xb8;
	[tilespmem:$0x10400] =	vst v63  }
0x77: {  	s7 =	sadd.s32 $0x400, s7;
	p1 =	seq.s32 s31, $0x18000  }
0x78: {  	[tilespmem:s21], [sflag:$0x2] =	stream.indirect.gather [hbm4b:s4+s10], $0x40, s20, s10, $0xb8;
	[tilespmem:$0x10400] =	vst v63  }
0x79: {  	s2 =	sshrl.u32 @!p1 s7, $0x3  }
0x7a: {  	[tilespmem:s23], [sflag:$0x2] =	stream.indirect.gather [hbm4b:s4+s10], $0x40, s22, s10, $0xb8;
	[tilespmem:$0x10400] =	vst v63  }
0x7b: {  	s5 =	simm.s32 @!p1 $0x0;
	s2 =	sadd.s32 @!p1 s1, s2  }
0x7c: {  	[tilespmem:s5], [sflag:$0x5] =	stream.linear.gather @!p1 [hbm4b:s2+s5], $0x200, $0x38;
	[tilespmem:$0x10400] =	vst v63  }
0x7d: {  	_ =	swait.ge [sflag:s24], $0x2000  }
0x7e: {  	[sflag:s24] =	ssyncset.done $0x0  }
0x7f: {  	[sflag:s24] =	ssyncadd.s32 $0xFFFFE000  }
0x80: {  	_ =	swait.ge [sflag:s24], $0x2000  }
0x81: {  	[sflag:s24] =	ssyncset.done $0x0  }
0x82: {  	s29 =	sadd.s32 $0x2000, s29;
	[sflag:s24] =	ssyncadd.s32 $0xFFFFE000  }
0x83: {  	p0 =	sne.s32 s29, $0x1A000;
	_ =	swait.ge [sflag:s24], $0x2000  }
.Ltmp0:
0x84: {  	[sflag:s24] =	ssyncset.done $0x0;
	(pc) =	sbr.rel @p0 .LBB2_2-.Ltmp0, $4  }
0x85: {  	[sflag:s24] =	ssyncadd.s32 $0xFFFFE000  }
0x86: {  	_ =	swait.ge [sflag:s24], $0x2000  }
0x87: {  	[sflag:s24] =	ssyncset.done $0x0  }
0x88: {  	s30 =	sadd.s32 $0x80, s30;
	s2 =	rddreg [dreg:$0x4];
	[sflag:s24] =	ssyncadd.s32 $0xFFFFE000  }
0x89: {  	s2 =	sadd.s32 s31, s2  }
0x8a: {  	[hbm4b:s2+s3] =	stream.linear.scatter [tilespmem:s17], [sflag:$0x4], $0x8000, $0x38;
	[tilespmem:$0x10400] =	vst v63  }
0x8b: {  	_ =	swait.ge [sflag:s25], $0x8000  }
0x8c: {  	[sflag:s25] =	ssyncset.done $0x0  }
0x8d: {  	[sflag:s25] =	ssyncadd.s32 $0xFFFF8000  }
0x8e: {  	_ =	swait.ge [sflag:s26], $0x8000  }
0x8f: {  	s28 =	sadd.s32 $0x1, s28;
	s31 =	rddreg [dreg:$0xa]  }
0x90: {  	p0 =	sne.s32 s28, s31  }
.Ltmp1:
0x91: {  	_ = 	snop;
	(pc) =	sbr.rel @p0 .LBB2_1-.Ltmp1, $3  }
0x92: {  	_ =	sdelay $0x1  }
0x93: {  	[sflag:s26] =	ssyncset.done $0x0  }
0x94: {  	[sflag:s26] =	ssyncadd.s32 $0xFFFF8000  }
0x95: {  	_ =	sfence.sel $0x180000  }
0x96: {  	[bflag:$0x0] =	sbarrier.arrive $0xFFFF  }
0x97: {  	_ =	strace $0x90000047  }
0x98: {  	s0 =	stileid.u32;
	[bflag:$0x2] =	sbarrier.arrive $0xFFFF  }
0x99: {  	p0 =	sne.s32 s0, $0x0;
	s0 =	rddreg [dreg:$0x3]  }
0x9a: {  	s0 =	sadd.s32 @!p0 $0x100000, s0  }
0x9b: {  	[sflag:s0] =	ssyncadd.tile.s32 @!p0 $0x1;
	_ =	shalt  }
.Lfunc_end2:
_tile_overlayer_lowered:
.L_overlay_start_2:
0x9c: {  	(tag) =	ssettag $0x2  }
0x9d: {  	s0 =	rddreg [dreg:$0x0];
	s2 =	stileid.u32  }
0x9e: {  	s1 =	rddreg [dreg:$0x1];
	p0 =	sne.s32 s2, $0x0  }
0x9f: {  	s3 =	rddreg [dreg:$0x2];
	[bflag:$0x3] =	sbarrier.arrive $0xFFFF;
	s2 =	simm.s32 @!p0 $0x1C07  }
0xa0: {  	[timem:s3], [sflag:s2] =	dma.local @!p0 [hbm:s0], s1  }
0xa1: {  	s0 =	simm.s32 @!p0 $0x7  }
0xa2: {  	_ =	swait.ge @!p0 [sflag:s0], s1  }
0xa3: {  	s1 =	ssub.s32 @!p0 $0x0, s1;
	[sflag:s0] =	ssyncset.done @!p0 $0x0  }
0xa4: {  	[sflag:s0] =	ssyncadd.s32 @!p0 s1  }
0xa5: {  	[bflag:$0x3] =	sbarrier.arrive $0xFFFF  }
0xa6: {  	_ =	shalt  }

// kernel: sparse-core-data-format-call.cloned.1.call-start
scs
called_computation_lowered:
.L_overlay_start_0:
0x0: {  	s2 =	sld [smem:$0x3FD9]  }
0x1: {  	s3 =	sld [smem:$0x3FFE];
	_ =	sdelay $0x1  }
0x2: {  	s1 =	srdreg.scid  }
0x3: {  	s0 =	sand.u32 $0x1, s1  }
0x4: {  	s18 =	sshll.u32 s0, $0xA;
	s2 =	sadd.s32 s3, s2  }
0x5: {  	s2 =	sadd.s32 s2, s18  }
0x6: {  	[smem:$0x3FC6] =	sst s2  }
0x7: {  	_ = 	snop  }
0x8: {  	s2 =	sld [smem:$0x3FD0];
	(tm) =	ssettm $0x1  }
0x9: {  	s19 =	sld [smem:$0x3FFB];
	_ =	sdelay $0x3  }
0xa: {  	_ =	strace s19  }
0xb: {  	s3 =	sld [smem:$0x3FFC];
	_ =	sdelay $0x3  }
0xc: {  	_ =	strace s3  }
0xd: {  	s3 =	sld [smem:$0x3FFD];
	_ =	sdelay $0x3  }
0xe: {  	_ =	strace s3  }
0xf: {  	_ =	strace $0x8FFFFFFF  }
0x10: {  	s20 =	sld [smem:$0x3FDB];
	_ =	sdelay $0x1  }
0x11: {  	s4 =	simm.s32 $_scs_section_size  }
0x12: {  	s5 =	simm.s32 $_size__tile_overlayer_lowered;
	s6 =	simm.s32 $_tile_overlayer_lowered  }
0x13: {  	s23 =	simm.s32 $0x1BFF;
	s22 =	sshll.u32 s6, $0x1;
	s3 =	sadd.s32 s4, s20  }
0x14: {  	s7 =	simm.s32 $0x0;
	s21 =	sshll.u32 s5, $0x1;
	s5 =	sadd.s32 s22, s3  }
0x15: {  	[timem:s7], [sflag:s23] =	dma.local [hbm:s5], s21  }
0x16: {  	_ =	swait.ge [sflag:s23], s21  }
0x17: {  	s4 =	ssub.s32 $0x0, s21;
	[sflag:s23] =	ssyncset.done $0x0  }
0x18: {  	[sflag:s23] =	ssyncadd.s32 s4;
	_ =	sdelay $0x1  }
0x19: {  	s24 =	simm.s32 $0x1B8B  }
0x1a: {  	_ =	swait.ge [sflag:s24], $0x1  }
0x1b: {  	[sflag:s24] =	ssyncset.done $0x0  }
0x1c: {  	s26 =	simm.s32 $0x1B8E;
	s25 =	sld [smem:$0x3FFE];
	[sflag:s24] =	ssyncadd.s32 $0xFFFFFFFF  }
0x1d: {  	s27 =	simm.s32 $execute0_lowered;
	[smem:$0x3FD2] =	sst s26  }
0x1e: {  	s5 =	sshll.u32 s27, $0x1;
	_ =	strace $0x80000049;
	[dreg:$0x1] =	wrdreg $0xFFFFFFFF  }
0x1f: {  	s28 =	simm.s32 $_size_execute0_lowered;
	s3 =	sadd.s32 s3, s5;
	[dreg:$0x0] =	wrdreg $0x0  }
0x20: {  	s5 =	sshll.u32 s28, $0x1;
	[dreg:$0x2] =	wrdreg s3  }
0x21: {  	[dreg:$0x3] =	wrdreg s5  }
0x22: {  	[dreg:$0x4] =	wrdreg $0xC0  }
0x23: {  	_ =	task [dreg:s7], $0x5FFFF  }
0x24: {  	[dreg:$0x1] =	wrdreg $0xFFFFFFFF  }
0x25: {  	[dreg:$0x0] =	wrdreg $0x60  }
0x26: {  	[dreg:$0x2] =	wrdreg s25  }
0x27: {  	[dreg:$0x3] =	wrdreg s2  }
0x28: {  	[dreg:$0x4] =	wrdreg $0x9  }
0x29: {  	_ =	task.clear_ibuf [dreg:s7], $0x5FFFF;
	_ =	strace $0x90000049  }
0x2a: {  	s29 =	simm.s32 $0x9;
	_ =	strace $0x8000004B  }
0x2b: {  	_ =	swait.ge [sflag:s29], $0x1  }
0x2c: {  	[sflag:s29] =	ssyncadd.s32 $0xFFFFFFFF  }
0x2d: {  	_ =	strace $0x9000004B  }
0x2e: {  	_ =	sfence  }
0x2f: {  	s30 =	sld [smem:$0x0];
	_ =	sdelay $0x2  }
0x30: {  	s31 =	sshll.u32 s1, $0xD;
	s1 =	sshrl.u32 s1, $0x2  }
0x31: {  	s3 =	sand.u32 $0x4000, s31;
	s1 =	sadd.s32 s1, s30  }
0x32: {  	s0 =	sor.u32 s3, s0;
	s1 =	sshll.u32 s1, $0x11  }
0x33: {  	s0 =	sor.u32 s1, s0  }
0x34: {  	s0 =	sadd.s32 $0x8F2B, s0  }
0x35: {  	[sflag:s0] =	ssyncadd.remote.s32 $0x1  }
0x36: {  	_ =	sfence.sel $0xFFFF  }
0x37: {  	[dreg:$0x0] =	wrdreg $0xFFFFFFFF;
	(pc) =	sbr.abs _section_cstart, $3  }
0x38: {  	[dreg:$0x1] =	wrdreg $0xFFFFFFFF  }
0x39: {  	_ =	task.clear_ibuf [dreg:s7], $0x2FFFF;
	_ =	strace $0x9FFFFFFF  }
0x3a: {  	(tm) =	ssettm $0x7FFFFFFF  }
0x3b: {  	_ =	shalt  }
tec
execute0_lowered:
.L_overlay_start_1:
0x0: {  	(tag) =	ssettag $0x1  }
0x1: {  	s0 =	srdreg.scid  }
0x2: {  	s1 =	sshll.u32 s0, $0x4  }
0x3: {  	s4 =	rddreg [dreg:$0x0];
	s0 =	stileid.u32;
	s1 =	sand.u32 $0x10, s1  }
0x4: {  	s2 =	rddreg [dreg:$0x1];
	s7 =	simm.s32 $0x1;
	s1 =	sor.u32 s0, s1  }
0x5: {  	s8 =	simm.s32 $0x2;
	s11 =	simm.s32 $0x0;
	s3 =	sshll.u32 s1, $0x7  }
0x6: {  	s10 =	simm.s32 $0x0;
	s4 =	sadd.s32 $0x800, s4;
	s6 =	ssub.s32 $0x68000, s3  }
.Ltmp0:
0x7: {  	s1 =	rddreg [dreg:$0x2];
	s5 =	sand.u32 $0xF80, s6;
	(pc) =	sbr.rel .LBB1_1-.Ltmp0, $4  }
0x8: {  	_ =	strace $0x8000004A;
	s9 =	smov.u32 s3;
	p0 =	sne.s32 s5, $0x0  }
0x9: {  	s6 =	sshrl.u32 s6, $0xC;
	s5 =	simm.s32 $0x1;
	s7 =	simm.s32 @!p0 $0x0  }
0xa: {  	[sflag:s5] =	ssyncpa.u1 $0x0;
	p0 =	por $0x0, $0x0;
	s6 =	sadd.s32 s7, s6  }
0xb: {  	[sflag:s8] =	ssyncpa.u1 $0x0;
	s8 =	simm.s32 $0x340000;
	s7 =	sadd.s32 $0x1, s6  }
.LBB1_4:
0xc: {  	s14 =	sshll.u32 s11, $0x3  }
0xd: {  	s30 =	sand.u32 $0x7F, s11;
	s15 =	sand.u32 $0xFFFFFC00, s14  }
0xe: {  	s11 =	sor.u32 s30, s15  }
0xf: {  	s15 =	smulhi.u32 $0x4EC4EC4F, s11  }
0x10: {  	s14 =	smulhi.u32 $0x4EC4EC4F, s14  }
0x11: {  	s15 =	sshrl.u32 s15, $0x11  }
0x12: {  	s14 =	sshrl.u32 s14, $0x11;
	s15 =	smul.u32 $0x68000, s15  }
0x13: {  	s14 =	sand.u32 $0x3F, s14  }
0x14: {  	s14 =	smul.u32 $0xD000, s14;
	s11 =	ssub.s32 s11, s15  }
0x15: {  	[tilespmem:s13+$0x810 ss:$0x81] =	vst.msk $0xffff, v2;
	s15 =	sand.u32 $0x7, s11  }
0x16: {  	[tilespmem:s13+$0x1020 ss:$0x81] =	vst.msk $0xffff, v0;
	s14 =	sadd.s32 s2, s14;
	s11 =	sshrl.u32 s11, $0x3;
	s15 =	sshll.u32 s15, $0x12  }
0x17: {  	[tilespmem:s13+$0x0 ss:$0x81] =	vst.msk $0xffff, v1;
	s11 =	sadd.s32 s11, s14;
	s31 =	sor.u32 $0x400, s15  }
0x18: {  	[hbm4b:s11+s31] =	stream.strided.scatter [tilespmem:s12], [sflag:$0x2], $0x2000, s8, s31, $0x20;
	[tilespmem:$0x8080] =	vst v63  }
.LBB1_5:
0x19: {  	s13 =	sadd.s32 $0x1000, s9  }
0x1a: {  	p2 =	sgt.s32 s13, $0x67FFF  }
0x1b: {  	s13 =	smov.u32 @p2 s3;
	p2 =	sne.s32 s10, s7  }
.Ltmp1:
0x1c: {  	p1 =	slt.u32 s10, $0x2;
	(pc) =	sbr.rel @!p2 .LBB1_6-.Ltmp1, $4  }
0x1d: {  	s12 =	simm.s32 @!p1 $0x2  }
0x1e: {  	s14 =	sadd.s32 $0x1, s10;
	_ =	swait.ge @!p1 [sflag:s12], $0x2000  }
0x1f: {  	s11 =	smov.u32 s9;
	p0 =	por !p0, !p0;
	[sflag:s12] =	ssyncset.done @!p1 $0x0  }
0x20: {  	s10 =	smov.u32 s14;
	s9 =	smov.u32 s13;
	[sflag:s12] =	ssyncadd.s32 @!p1 $0xFFFFE000  }
.LBB1_1:
0x21: {  	p1 =	sge.u32 s10, s6  }
0x22: {  	s12 =	sand.u32 @!p1 $0x1FFFFFF, s9  }
0x23: {  	s13 =	smulhi.u32 @!p1 $0x2762763, s12;
	_ =	sdelay $0x1  }
0x24: {  	s13 =	sshrl.u32 @!p1 s13, $0xC  }
0x25: {  	s13 =	smul.u32 @!p1 $0x68000, s13;
	_ =	sdelay $0x1  }
0x26: {  	s31 =	sadd.s32 $0xFFFFFFFF, s10;
	s14 =	sxor.u32 @!p1 $0xFFFFFFFF, s10;
	s12 =	ssub.s32 @!p1 s12, s13  }
0x27: {  	s15 =	simm.s32 @!p1 $0x80;
	s14 =	sshll.u32 @!p1 s14, $0xD;
	s12 =	sshll.u32 @!p1 s12, $0x4  }
0x28: {  	s13 =	sand.u32 @!p1 $0x2000, s14;
	s14 =	simm.s32 @!p1 $0x40;
	s12 =	sadd.s32 @!p1 s4, s12  }
0x29: {  	[tilespmem:s13], [sflag:$0x1] =	stream.strided.gather @!p1 [hbm4b:s12+s14], $0x2000, s15, s14, $0x38;
	[tilespmem:$0x8080] =	vst v63  }
0x2a: {  	p1 =	sge.u32 s31, s6  }
.Ltmp2:
0x2b: {  	_ = 	snop;
	(pc) =	sbr.rel @p1 .LBB1_5-.Ltmp2, $1  }
0x2c: {  	_ =	sdelay $0x3  }
0x2d: {  	s12 =	simm.s32 $0x1  }
0x2e: {  	_ =	swait.ge [sflag:s5], $0x2000;
	s12 =	simm.s32 @!p0 $0x0  }
0x2f: {  	[sflag:s5] =	ssyncset.done $0x0;
	s13 =	sshll.u32 s12, $0xD  }
0x30: {  	[sflag:s5] =	ssyncadd.s32 $0xFFFFE000;
	s16 =	sor.u32 $0x20, s13  }
0x31: {  	s12 =	smul.u32 $0x8100, s12;
	v3 =	vld [tilespmem:s16+$0x10]  }
0x32: {  	s30 =	sand.u32 $0x1, s10;
	v2 =	vld [tilespmem:s16+$0xFFFFFFF0]  }
0x33: {  	s13 =	smul.u32 $0x8100, s30;
	s12 =	sshrl.u32 s12, $0x2;
	v0 =	vld [tilespmem:s16+$0x0]  }
0x34: {  	v1 =	vld [tilespmem:s16+$0xFFFFFFE0];
	s14 =	sor.u32 $0x4000, s12  }
0x35: {  	s31 =	sshrl.u32 s13, $0x2;
	s13 =	sadd.s32 $0x0, s14  }
0x36: {  	s15 =	simm.s32 $0x4;
	s16 =	sadd.s32 $0x40, s16;
	s12 =	sor.u32 $0x4000, s31;
	[tilespmem:s13+$0x1830 ss:$0x81] =	vst.msk $0xffff, v3  }
.LBB1_3:
0x37: {  	v3 =	vld [tilespmem:s16+$0x10];
	p1 =	sne.s32 s15, $0x1FC;
	[tilespmem:s13+$0x810 ss:$0x81] =	vst.msk $0xffff, v2;
	s17 =	smov.u32 s15;
	s15 =	sadd.s32 $0x4, s15  }
.Ltmp3:
0x38: {  	v2 =	vld [tilespmem:s16+$0xFFFFFFF0];
	[tilespmem:s13+$0x1020 ss:$0x81] =	vst.msk $0xffff, v0;
	(pc) =	sbr.rel @p1 .LBB1_3-.Ltmp3, $4  }
0x39: {  	v0 =	vld [tilespmem:s16+$0x0];
	[tilespmem:s13+$0x0 ss:$0x81] =	vst.msk $0xffff, v1  }
0x3a: {  	s13 =	sshra.s32 s17, $0x2;
	v1 =	vld [tilespmem:s16+$0xFFFFFFE0]  }
0x3b: {  	s13 =	sadd.s32 s13, s14  }
0x3c: {  	s16 =	sadd.s32 $0x40, s16;
	[tilespmem:s13+$0x1830 ss:$0x81] =	vst.msk $0xffff, v3  }
.Ltmp4:
0x3d: {  	_ = 	snop;
	(pc) =	sbr.rel .LBB1_4-.Ltmp4, $1  }
0x3e: {  	_ =	sdelay $0x3  }
.LBB1_6:
0x3f: {  	_ =	sfence.sel $0x180000  }
0x40: {  	s2 =	simm.s32 $0x1;
	[bflag:$0x0] =	sbarrier.arrive $0xFFFF  }
0x41: {  	s31 =	simm.s32 $0x2;
	[sflag:s2] =	ssyncpa.u1 $0x1  }
0x42: {  	[sflag:s31] =	ssyncpa.u1 $0x1  }
0x43: {  	p0 =	sne.s32 s0, $0x0;
	_ =	strace $0x9000004A  }
0x44: {  	s0 =	sadd.s32 @!p0 $0x100000, s1;
	[bflag:$0x2] =	sbarrier.arrive $0xFFFF  }
0x45: {  	[sflag:s0] =	ssyncadd.tile.s32 @!p0 $0x1;
	_ =	shalt  }
.Lfunc_end1:
_tile_overlayer_lowered:
.L_overlay_start_2:
0x46: {  	(tag) =	ssettag $0x2  }
0x47: {  	s0 =	rddreg [dreg:$0x0];
	s2 =	stileid.u32  }
0x48: {  	s1 =	rddreg [dreg:$0x1];
	p0 =	sne.s32 s2, $0x0  }
0x49: {  	s3 =	rddreg [dreg:$0x2];
	[bflag:$0x3] =	sbarrier.arrive $0xFFFF;
	s2 =	simm.s32 @!p0 $0x1C01  }
0x4a: {  	[timem:s3], [sflag:s2] =	dma.local @!p0 [hbm:s0], s1  }
0x4b: {  	s0 =	simm.s32 @!p0 $0x1  }
0x4c: {  	_ =	swait.ge @!p0 [sflag:s0], s1  }
0x4d: {  	s1 =	ssub.s32 @!p0 $0x0, s1;
	[sflag:s0] =	ssyncset.done @!p0 $0x0  }
0x4e: {  	[sflag:s0] =	ssyncadd.s32 @!p0 s1  }
0x4f: {  	[bflag:$0x3] =	sbarrier.arrive $0xFFFF  }
0x50: {  	_ =	shalt  }

</sc_bundles>
